<compile_context>
chip_gen: v7x
topology: tpu7x:2x2x1
jax: 0.10.2.dev20260603
libtpu: 0.0.44.dev20260713+nightly
codegen_flags: <defaults>
</compile_context>

<pallas_src>
import functools

import jax
import jax.numpy as jnp
from jax import lax
from jax.experimental import pallas as pl
from jax.experimental.pallas import tpu as pltpu
from jax.experimental.pallas import tpu_sc as plsc

N_CAND = 1000000
N_SAMP = 200000
NUM_SEG = 1024

NC, NS = 2, 16
NW = NC * NS
C = 31360
NP = NW * C
NCH = 8
CH = C // NCH
DEPTH = 2
S = 6272
NSP = NW * S
NBINS = 1040

_MESH = plsc.VectorSubcoreMesh(core_axis_name="c", subcore_axis_name="s")
_PARAMS = pltpu.CompilerParams(needs_layout_passes=False)


def _wid():
    return lax.axis_index("s") * NC + lax.axis_index("c")


def _pass1_body(eid_hbm, u_hbm, eg_hbm, tab_hbm, e_hbm, pbins_hbm,
                eid_v, u_v, eg_v, e_v, bins_v,
                sem_a, sem_b, sem_c, gs0, gs1, wsem):
    wid = _wid()
    base = wid * C

    cp_eid = pltpu.async_copy(eid_hbm.at[pl.ds(base, C)], eid_v, sem_a)
    cp_u = pltpu.async_copy(u_hbm.at[pl.ds(base, C)], u_v, sem_b)
    cp_eg = pltpu.async_copy(eg_hbm.at[pl.ds(base, C)], eg_v, sem_c)

    def zero_bins(i, _):
        bins_v[pl.ds(i * 16, 16)] = jnp.zeros((16,), jnp.float32)
        return _
    lax.fori_loop(0, NBINS // 16, zero_bins, None)

    gsems = [gs0, gs1]
    cp_eid.wait()
    g = {}
    for j in range(DEPTH):
        sl = pl.ds(j * CH, CH)
        g[j] = pltpu.async_copy(tab_hbm.at[eid_v.at[sl]], e_v.at[sl],
                                gsems[j % DEPTH])
    cp_u.wait()
    cp_eg.wait()

    lane0 = lax.iota(jnp.int32, 16) == 0
    acc = jnp.zeros((16,), jnp.float32)
    prev = eg_v[pl.ds(0, 16)][0]
    wbs = []
    for c in range(NCH):
        g[c].wait()
        if c + DEPTH < NCH:
            sl = pl.ds((c + DEPTH) * CH, CH)
            g[c + DEPTH] = pltpu.async_copy(tab_hbm.at[eid_v.at[sl]],
                                            e_v.at[sl],
                                            gsems[(c + DEPTH) % DEPTH])

        def step(j, carry, c=c):
            acc, prev = carry
            sl = pl.ds(c * CH + j * 16, 16)
            e16 = jnp.exp(e_v[sl] + u_v[sl])
            e_v[sl] = e16
            seg16 = eg_v[sl]
            s0 = seg16[0]
            s15 = seg16[15]
            uniform = jnp.logical_and(s0 == s15, s0 == prev)
            boundary = s0 != s15

            @pl.when(jnp.logical_not(uniform))
            def _flush():
                w = bins_v[pl.ds(prev, 16)]
                bins_v[pl.ds(prev, 16)] = w + jnp.where(lane0, jnp.sum(acc), 0.0)

            @pl.when(boundary)
            def _scatter():
                plsc.addupdate_scatter(bins_v, [seg16], e16)

            acc_n = jnp.where(uniform, acc + e16,
                              jnp.where(boundary, jnp.zeros_like(e16), e16))
            prev_n = jnp.where(uniform, prev, s15)
            return (acc_n, prev_n)

        acc, prev = lax.fori_loop(0, CH // 16, step, (acc, prev))
        csl = pl.ds(c * CH, CH)
        wbs.append(pltpu.async_copy(e_v.at[csl],
                                    e_hbm.at[pl.ds(base + c * CH, CH)], wsem))

    w = bins_v[pl.ds(prev, 16)]
    bins_v[pl.ds(prev, 16)] = w + jnp.where(lane0, jnp.sum(acc), 0.0)
    pltpu.sync_copy(bins_v, pbins_hbm.at[wid])
    for h in wbs:
        h.wait()


def _pass2_body(e_hbm, eg_hbm, pbins_hbm, ca_hbm, y_hbm,
                pb_v, bins_v, ca_v, e_v, seg_v, y_v, sem_a, sem_b, sem_c, sem_d):
    wid = _wid()
    base = wid * S

    cp_ca = pltpu.async_copy(ca_hbm.at[pl.ds(base, S)], ca_v, sem_a)
    cp_pb = pltpu.async_copy(pbins_hbm, pb_v, sem_b)
    cp_ca.wait()
    ge = pltpu.async_copy(e_hbm.at[ca_v], e_v, sem_c)
    gs = pltpu.async_copy(eg_hbm.at[ca_v], seg_v, sem_d)
    cp_pb.wait()

    def red(i, _):
        sl = pl.ds(i * 16, 16)
        acc = pb_v[0, sl]

        def add_row(t, a):
            return a + pb_v[t, sl]
        bins_v[sl] = lax.fori_loop(1, NW, add_row, acc)
        return _
    lax.fori_loop(0, NBINS // 16, red, None)

    ge.wait()
    gs.wait()

    def step(j, _):
        b = j * 16
        denom = plsc.load_gather(bins_v, [seg_v[pl.ds(b, 16)]])
        y = e_v[pl.ds(b, 16)] / denom
        y_v[pl.ds(b, 16)] = (1.0 - y) + y
        return _
    lax.fori_loop(0, S // 16, step, None)

    pltpu.sync_copy(y_v, y_hbm.at[pl.ds(base, S)])


_pass1 = functools.partial(
    pl.kernel,
    out_type=(
        jax.ShapeDtypeStruct((NP,), jnp.float32),
        jax.ShapeDtypeStruct((NW, NBINS), jnp.float32),
    ),
    mesh=_MESH,
    scratch_types=[
        pltpu.VMEM((C,), jnp.int32),
        pltpu.VMEM((C,), jnp.float32),
        pltpu.VMEM((C,), jnp.int32),
        pltpu.VMEM((C,), jnp.float32),
        pltpu.VMEM((NBINS,), jnp.float32),
        pltpu.SemaphoreType.DMA,
        pltpu.SemaphoreType.DMA,
        pltpu.SemaphoreType.DMA,
        pltpu.SemaphoreType.DMA,
        pltpu.SemaphoreType.DMA,
        pltpu.SemaphoreType.DMA,
    ],
    compiler_params=_PARAMS,
)(_pass1_body)

_pass2 = functools.partial(
    pl.kernel,
    out_type=jax.ShapeDtypeStruct((NSP,), jnp.float32),
    mesh=_MESH,
    scratch_types=[
        pltpu.VMEM((NW, NBINS), jnp.float32),
        pltpu.VMEM((NBINS,), jnp.float32),
        pltpu.VMEM((S,), jnp.int32),
        pltpu.VMEM((S,), jnp.float32),
        pltpu.VMEM((S,), jnp.int32),
        pltpu.VMEM((S,), jnp.float32),
        pltpu.SemaphoreType.DMA,
        pltpu.SemaphoreType.DMA,
        pltpu.SemaphoreType.DMA,
        pltpu.SemaphoreType.DMA,
    ],
    compiler_params=_PARAMS,
)(_pass2_body)


def kernel(candidate_edges, loglog_u, sampled_edges, edges_logits):
    eg = candidate_edges[:, 0]
    eid = candidate_edges[:, 1]
    ca = sampled_edges[:, 5]

    pad = NP - N_CAND
    egp = jnp.concatenate([eg, jnp.full((pad,), NUM_SEG, jnp.int32)])
    eidp = jnp.concatenate([eid, jnp.zeros((pad,), jnp.int32)])
    up = jnp.concatenate([loglog_u, jnp.zeros((pad,), jnp.float32)])
    cap = jnp.concatenate([ca, jnp.zeros((NSP - N_SAMP,), jnp.int32)])

    e, pbins = _pass1(eidp, up, egp, edges_logits)
    ypad = _pass2(e, egp, pbins, cap)
    return ypad[:N_SAMP]

# --- scband reference (transcript-rebuilt; emitter-appended) ---
"""Pipeline reference for scband-sampler-25323127177408 (READ-ONLY COPY).

The authoritative reference and input builder live on the scoring server;
editing this copy changes nothing except your own understanding.
"""

import jax, jax.numpy as jnp
import numpy as np

N_FULL_EDGES = 6400000
N_CAND = 1000000
N_SAMP = 200000
NUM_SEG = 1024


def setup_inputs(seed: int = 0) -> dict:
    key = jax.random.key(seed)
    k1, k2, k3, k4, k5, k6 = jax.random.split(key, 6)
    # candidate_edges columns: (eg_idx, edge_id, vi, vj, rel), sorted by eg_idx
    eg_idx = jnp.sort(jax.random.randint(k1, (N_CAND,), 0, NUM_SEG))
    edge_id = jax.random.randint(k2, (N_CAND,), 0, N_FULL_EDGES)
    vi = jax.random.randint(k3, (N_CAND,), 0, 100000)
    vj = jax.random.randint(k4, (N_CAND,), 0, 100000)
    rel = jax.random.randint(k5, (N_CAND,), 0, 32)
    candidate_edges = jnp.stack([eg_idx, edge_id, vi, vj, rel], axis=1).astype(jnp.int32)
    # gumbel noise: -log(-log(u))
    loglog_u = jax.random.gumbel(k6, (N_CAND,), dtype=jnp.float32)
    # sampled_edges columns: (eg_idx, edge_id, vi, vj, rel, ca_idx); ca_idx indexes candidate_edges
    ks = jax.random.split(jax.random.fold_in(key, 7), 6)
    ca_idx = jnp.sort(jax.random.randint(ks[5], (N_SAMP,), 0, N_CAND))
    sampled_edges = jnp.stack([
        jax.random.randint(ks[0], (N_SAMP,), 0, NUM_SEG),
        jax.random.randint(ks[1], (N_SAMP,), 0, N_FULL_EDGES),
        jax.random.randint(ks[2], (N_SAMP,), 0, 100000),
        jax.random.randint(ks[3], (N_SAMP,), 0, 100000),
        jax.random.randint(ks[4], (N_SAMP,), 0, 32),
        ca_idx,
    ], axis=1).astype(jnp.int32)
    # learned parameter: edges_logits (init zeros in module; small random for a non-degenerate check)
    edges_logits = jax.random.normal(jax.random.fold_in(key, 8), (N_FULL_EDGES,), dtype=jnp.float32) * 0.01
    return {
        "candidate_edges": candidate_edges,
        "loglog_u": loglog_u,
        "sampled_edges": sampled_edges,
        "edges_logits": edges_logits,
    }


def _sparse_softmax(logits, segment_ids, num_segments):
    logits_max = jax.ops.segment_max(logits, segment_ids, num_segments=num_segments)
    logits_diff = logits - logits_max[segment_ids]
    logits_exp = jnp.exp(logits_diff)
    logits_expsum = jax.ops.segment_sum(logits_exp, segment_ids, num_segments=num_segments)
    return logits_exp / logits_expsum[segment_ids]


def reference(candidate_edges, loglog_u, sampled_edges, edges_logits):
    # mode == 'by_eg', diff_control=None, hard=True
    segment_ids = candidate_edges[:, 0]
    edge_id = candidate_edges[:, 1]
    logits = jnp.take(edges_logits, edge_id, axis=0)
    ca_idx = sampled_edges[:, 5]
    y = logits + loglog_u
    y = _sparse_softmax(y, segment_ids, NUM_SEG)
    y = jnp.take(y, ca_idx, axis=0)
    y_hard = jnp.ones_like(y)
    y = jax.lax.stop_gradient(y_hard - y) + y
    return y

if __name__ == "__main__":
    import jax
    _d = setup_inputs()
    print(jax.jit(kernel)(*tuple(_d.values())))

</pallas_src>

<mosaic_0001>
#map = affine_map<(d0, d1) -> (0)>
#map1 = affine_map<(d0, d1) -> (0, 0)>
module attributes {stable_mosaic.version = 14 : i64} {
  func.func @_pass2_body(%arg0: i32, %arg1: i32, %arg2: memref<1003520xf32, #tpu.memory_space<hbm>>, %arg3: memref<1003520xi32, #tpu.memory_space<hbm>>, %arg4: memref<32x1040xf32, #tpu.memory_space<hbm>>, %arg5: memref<200704xi32, #tpu.memory_space<hbm>>, %arg6: memref<200704xf32, #tpu.memory_space<hbm>>, %arg7: memref<32x1040xf32, #tpu.memory_space<vmem>>, %arg8: memref<1040xf32, #tpu.memory_space<vmem>>, %arg9: memref<6272xi32, #tpu.memory_space<vmem>>, %arg10: memref<6272xf32, #tpu.memory_space<vmem>>, %arg11: memref<6272xi32, #tpu.memory_space<vmem>>, %arg12: memref<6272xf32, #tpu.memory_space<vmem>>, %arg13: memref<!tpu.dma_semaphore, #tpu.memory_space<semaphore_mem>>, %arg14: memref<!tpu.dma_semaphore, #tpu.memory_space<semaphore_mem>>, %arg15: memref<!tpu.dma_semaphore, #tpu.memory_space<semaphore_mem>>, %arg16: memref<!tpu.dma_semaphore, #tpu.memory_space<semaphore_mem>>) attributes {dimension_semantics = [#tpu.dimension_semantics<core_parallel>, #tpu.dimension_semantics<subcore_parallel>], iteration_bounds = array<i64: 2, 16>, scalar_prefetch = 0 : i64, scratch_operands = 10 : i64, tpu.core_type = #tpu.core_type<sc_vector_subcore>, window_params = [{transform_indices = #map}, {transform_indices = #map}, {transform_indices = #map1}, {transform_indices = #map}, {transform_indices = #map}]} {
    %mul3A = arith.constant 2 : i32
    %mul3A_0 = arith.muli %arg1, %mul3A : i32
    %add3A = arith.addi %mul3A_0, %arg0 : i32
    %mul3A_1 = arith.constant 6272 : i32
    %mul3A_2 = arith.muli %add3A, %mul3A_1 : i32
    %dma_start3A = tpu.memref_slice %arg5[%mul3A_2] : memref<200704xi32, #tpu.memory_space<hbm>> -> memref<6272xi32, #tpu.memory_space<hbm>>
    %dma_start3A_3 = tpu.memref_slice %arg5[%mul3A_2] : memref<200704xi32, #tpu.memory_space<hbm>> -> memref<6272xi32, #tpu.memory_space<hbm>>
    tpu.enqueue_dma source(%dma_start3A_3 : memref<6272xi32, #tpu.memory_space<hbm>>) target(%arg9 : memref<6272xi32, #tpu.memory_space<vmem>>) target_semaphore(%arg13 : memref<!tpu.dma_semaphore, #tpu.memory_space<semaphore_mem>>)
    tpu.enqueue_dma source(%arg4 : memref<32x1040xf32, #tpu.memory_space<hbm>>) target(%arg7 : memref<32x1040xf32, #tpu.memory_space<vmem>>) target_semaphore(%arg14 : memref<!tpu.dma_semaphore, #tpu.memory_space<semaphore_mem>>)
    %dma_wait3A = tpu.memref_slice %arg5[%mul3A_2] : memref<200704xi32, #tpu.memory_space<hbm>> -> memref<6272xi32, #tpu.memory_space<hbm>>
    %dma_wait3A_4 = tpu.memref_slice %arg5[%mul3A_2] : memref<200704xi32, #tpu.memory_space<hbm>> -> memref<6272xi32, #tpu.memory_space<hbm>>
    tpu.wait_dma2 semaphore(%arg13 : memref<!tpu.dma_semaphore, #tpu.memory_space<semaphore_mem>>) src(%dma_wait3A_4 : memref<6272xi32, #tpu.memory_space<hbm>>) dst(%arg9 : memref<6272xi32, #tpu.memory_space<vmem>>)
    %dma_start3A_5 = arith.constant 0 : i32
    %dma_start3A_6 = tpu.memref_slice %arg2[%dma_start3A_5] : memref<1003520xf32, #tpu.memory_space<hbm>> -> memref<1003520xf32, #tpu.memory_space<hbm>>
    tpu.enqueue_indirect_dma source(%dma_start3A_6 : memref<1003520xf32, #tpu.memory_space<hbm>>) target(%arg10 : memref<6272xf32, #tpu.memory_space<vmem>>) offsets(%arg9 : memref<6272xi32, #tpu.memory_space<vmem>>) semaphore(%arg15 : memref<!tpu.dma_semaphore, #tpu.memory_space<semaphore_mem>>)
    %dma_start3A_7 = arith.constant 0 : i32
    %dma_start3A_8 = tpu.memref_slice %arg3[%dma_start3A_7] : memref<1003520xi32, #tpu.memory_space<hbm>> -> memref<1003520xi32, #tpu.memory_space<hbm>>
    tpu.enqueue_indirect_dma source(%dma_start3A_8 : memref<1003520xi32, #tpu.memory_space<hbm>>) target(%arg11 : memref<6272xi32, #tpu.memory_space<vmem>>) offsets(%arg9 : memref<6272xi32, #tpu.memory_space<vmem>>) semaphore(%arg16 : memref<!tpu.dma_semaphore, #tpu.memory_space<semaphore_mem>>)
    tpu.wait_dma2 semaphore(%arg14 : memref<!tpu.dma_semaphore, #tpu.memory_space<semaphore_mem>>) src(%arg4 : memref<32x1040xf32, #tpu.memory_space<hbm>>) dst(%arg7 : memref<32x1040xf32, #tpu.memory_space<vmem>>)
    %scan3A = arith.constant 0 : i32
    %scan3A_9 = arith.constant 65 : i32
    %scan3A_10 = arith.addi %scan3A, %scan3A_9 : i32
    %scan3A_11 = arith.constant 1 : i32
    scf.for %scan3A_22 = %scan3A to %scan3A_10 step %scan3A_11  : i32 {
      %mul3A_23 = arith.constant 16 : i32
      %mul3A_24 = arith.muli %scan3A_22, %mul3A_23 : i32
      %get3A = arith.constant 0 : i32
      %get3A_25 = arith.index_cast %get3A : i32 to index
      %get3A_26 = arith.index_cast %mul3A_24 : i32 to index
      %get3A_27 = tpu.vector_load %arg7[%get3A_25, %get3A_26] {strides = array<i32>} : memref<32x1040xf32, #tpu.memory_space<vmem>>, vector<16xf32>,
      %scan3A_28 = arith.constant 1 : i32
      %scan3A_29 = arith.constant 31 : i32
      %scan3A_30 = arith.addi %scan3A_28, %scan3A_29 : i32
      %scan3A_31 = arith.constant 1 : i32
      %scan3A_32 = scf.for %scan3A_35 = %scan3A_28 to %scan3A_30 step %scan3A_31 iter_args(%scan3A_36 = %get3A_27) -> (vector<16xf32>)  : i32 {
        %get3A_37 = arith.index_cast %scan3A_35 : i32 to index
        %get3A_38 = arith.index_cast %mul3A_24 : i32 to index
        %get3A_39 = tpu.vector_load %arg7[%get3A_37, %get3A_38] {strides = array<i32>} : memref<32x1040xf32, #tpu.memory_space<vmem>>, vector<16xf32>,
        %add3A_40 = arith.addf %scan3A_36, %get3A_39 : vector<16xf32>
        scf.yield %add3A_40 : vector<16xf32>
      }
      %scan3A_33 = arith.constant 31 : i32
      %swap3A = arith.index_cast %mul3A_24 : i32 to index
      %swap3A_34 = tpu.vector_load %arg8[%swap3A] {strides = array<i32>} : memref<1040xf32, #tpu.memory_space<vmem>>, vector<16xf32>,
      tpu.vector_store %arg8[%swap3A], %scan3A_32 {strides = array<i32>} : memref<1040xf32, #tpu.memory_space<vmem>>, vector<16xf32>,
    }
    %scan3A_12 = arith.constant 65 : i32
    %dma_wait3A_13 = arith.constant 0 : i32
    %dma_wait3A_14 = tpu.memref_slice %arg2[%dma_wait3A_13] : memref<1003520xf32, #tpu.memory_space<hbm>> -> memref<1003520xf32, #tpu.memory_space<hbm>>
    tpu.wait_indirect_dma semaphore(%arg15 : memref<!tpu.dma_semaphore, #tpu.memory_space<semaphore_mem>>) src(%dma_wait3A_14 : memref<1003520xf32, #tpu.memory_space<hbm>>) dst(%arg10 : memref<6272xf32, #tpu.memory_space<vmem>>)
    %dma_wait3A_15 = arith.constant 0 : i32
    %dma_wait3A_16 = tpu.memref_slice %arg3[%dma_wait3A_15] : memref<1003520xi32, #tpu.memory_space<hbm>> -> memref<1003520xi32, #tpu.memory_space<hbm>>
    tpu.wait_indirect_dma semaphore(%arg16 : memref<!tpu.dma_semaphore, #tpu.memory_space<semaphore_mem>>) src(%dma_wait3A_16 : memref<1003520xi32, #tpu.memory_space<hbm>>) dst(%arg11 : memref<6272xi32, #tpu.memory_space<vmem>>)
    %scan3A_17 = arith.constant 0 : i32
    %scan3A_18 = arith.constant 392 : i32
    %scan3A_19 = arith.addi %scan3A_17, %scan3A_18 : i32
    %scan3A_20 = arith.constant 1 : i32
    scf.for %scan3A_22 = %scan3A_17 to %scan3A_19 step %scan3A_20  : i32 {
      %mul3A_23 = arith.constant 16 : i32
      %mul3A_24 = arith.muli %scan3A_22, %mul3A_23 : i32
      %get3A = arith.index_cast %mul3A_24 : i32 to index
      %get3A_25 = tpu.vector_load %arg11[%get3A] {strides = array<i32>} : memref<6272xi32, #tpu.memory_space<vmem>>, vector<16xi32>,
      %gather3A = tpu.vector_load_idx %arg8[%get3A_25] : memref<1040xf32, #tpu.memory_space<vmem>>[vector<16xi32>], vector<16xf32>,
      %get3A_26 = arith.index_cast %mul3A_24 : i32 to index
      %get3A_27 = tpu.vector_load %arg10[%get3A_26] {strides = array<i32>} : memref<6272xf32, #tpu.memory_space<vmem>>, vector<16xf32>,
      %div3A = arith.divf %get3A_27, %gather3A : vector<16xf32>
      %sub3A = arith.constant 1.000000e+00 : f32
      %sub3A_28 = vector.broadcast %sub3A : f32 to vector<16xf32>
      %sub3A_29 = arith.subf %sub3A_28, %div3A : vector<16xf32>
      %add3A_30 = arith.addf %sub3A_29, %div3A : vector<16xf32>
      %swap3A = arith.index_cast %mul3A_24 : i32 to index
      %swap3A_31 = tpu.vector_load %arg12[%swap3A] {strides = array<i32>} : memref<6272xf32, #tpu.memory_space<vmem>>, vector<16xf32>,
      tpu.vector_store %arg12[%swap3A], %add3A_30 {strides = array<i32>} : memref<6272xf32, #tpu.memory_space<vmem>>, vector<16xf32>,
    }
    %scan3A_21 = arith.constant 392 : i32
    "tpu.region"() ({
      %run_scoped3A = tpu.sem_alloc : memref<!tpu.dma_semaphore, #tpu.memory_space<semaphore_mem>>
      %dma_start3A_22 = tpu.memref_slice %arg6[%mul3A_2] : memref<200704xf32, #tpu.memory_space<hbm>> -> memref<6272xf32, #tpu.memory_space<hbm>>
      %dma_start3A_23 = tpu.memref_slice %arg6[%mul3A_2] : memref<200704xf32, #tpu.memory_space<hbm>> -> memref<6272xf32, #tpu.memory_space<hbm>>
      tpu.enqueue_dma source(%arg12 : memref<6272xf32, #tpu.memory_space<vmem>>) target(%dma_start3A_23 : memref<6272xf32, #tpu.memory_space<hbm>>) target_semaphore(%run_scoped3A : memref<!tpu.dma_semaphore, #tpu.memory_space<semaphore_mem>>)
      %dma_wait3A_24 = tpu.memref_slice %arg6[%mul3A_2] : memref<200704xf32, #tpu.memory_space<hbm>> -> memref<6272xf32, #tpu.memory_space<hbm>>
      %dma_wait3A_25 = tpu.memref_slice %arg6[%mul3A_2] : memref<200704xf32, #tpu.memory_space<hbm>> -> memref<6272xf32, #tpu.memory_space<hbm>>
      tpu.wait_dma2 semaphore(%run_scoped3A : memref<!tpu.dma_semaphore, #tpu.memory_space<semaphore_mem>>) src(%arg12 : memref<6272xf32, #tpu.memory_space<vmem>>) dst(%dma_wait3A_25 : memref<6272xf32, #tpu.memory_space<hbm>>)
      tpu.yield
    }) : () -> ()
    return
  }
}

#map = affine_map<(d0, d1) -> (0)>
#map1 = affine_map<(d0, d1) -> (0, 0)>
module attributes {stable_mosaic.version = 14 : i64} {
  func.func @_pass1_body(%arg0: i32, %arg1: i32, %arg2: memref<1003520xi32, #tpu.memory_space<hbm>>, %arg3: memref<1003520xf32, #tpu.memory_space<hbm>>, %arg4: memref<1003520xi32, #tpu.memory_space<hbm>>, %arg5: memref<6400000xf32, #tpu.memory_space<hbm>>, %arg6: memref<1003520xf32, #tpu.memory_space<hbm>>, %arg7: memref<32x1040xf32, #tpu.memory_space<hbm>>, %arg8: memref<31360xi32, #tpu.memory_space<vmem>>, %arg9: memref<31360xf32, #tpu.memory_space<vmem>>, %arg10: memref<31360xi32, #tpu.memory_space<vmem>>, %arg11: memref<31360xf32, #tpu.memory_space<vmem>>, %arg12: memref<1040xf32, #tpu.memory_space<vmem>>, %arg13: memref<!tpu.dma_semaphore, #tpu.memory_space<semaphore_mem>>, %arg14: memref<!tpu.dma_semaphore, #tpu.memory_space<semaphore_mem>>, %arg15: memref<!tpu.dma_semaphore, #tpu.memory_space<semaphore_mem>>, %arg16: memref<!tpu.dma_semaphore, #tpu.memory_space<semaphore_mem>>, %arg17: memref<!tpu.dma_semaphore, #tpu.memory_space<semaphore_mem>>, %arg18: memref<!tpu.dma_semaphore, #tpu.memory_space<semaphore_mem>>) attributes {dimension_semantics = [#tpu.dimension_semantics<core_parallel>, #tpu.dimension_semantics<subcore_parallel>], iteration_bounds = array<i64: 2, 16>, scalar_prefetch = 0 : i64, scratch_operands = 11 : i64, tpu.core_type = #tpu.core_type<sc_vector_subcore>, window_params = [{transform_indices = #map}, {transform_indices = #map}, {transform_indices = #map}, {transform_indices = #map}, {transform_indices = #map}, {transform_indices = #map1}]} {
    %mul3A = arith.constant 2 : i32
    %mul3A_0 = arith.muli %arg1, %mul3A : i32
    %add3A = arith.addi %mul3A_0, %arg0 : i32
    %mul3A_1 = arith.constant 31360 : i32
    %mul3A_2 = arith.muli %add3A, %mul3A_1 : i32
    %dma_start3A = tpu.memref_slice %arg2[%mul3A_2] : memref<1003520xi32, #tpu.memory_space<hbm>> -> memref<31360xi32, #tpu.memory_space<hbm>>
    %dma_start3A_3 = tpu.memref_slice %arg2[%mul3A_2] : memref<1003520xi32, #tpu.memory_space<hbm>> -> memref<31360xi32, #tpu.memory_space<hbm>>
    tpu.enqueue_dma source(%dma_start3A_3 : memref<31360xi32, #tpu.memory_space<hbm>>) target(%arg8 : memref<31360xi32, #tpu.memory_space<vmem>>) target_semaphore(%arg13 : memref<!tpu.dma_semaphore, #tpu.memory_space<semaphore_mem>>)
    %dma_start3A_4 = tpu.memref_slice %arg3[%mul3A_2] : memref<1003520xf32, #tpu.memory_space<hbm>> -> memref<31360xf32, #tpu.memory_space<hbm>>
    %dma_start3A_5 = tpu.memref_slice %arg3[%mul3A_2] : memref<1003520xf32, #tpu.memory_space<hbm>> -> memref<31360xf32, #tpu.memory_space<hbm>>
    tpu.enqueue_dma source(%dma_start3A_5 : memref<31360xf32, #tpu.memory_space<hbm>>) target(%arg9 : memref<31360xf32, #tpu.memory_space<vmem>>) target_semaphore(%arg14 : memref<!tpu.dma_semaphore, #tpu.memory_space<semaphore_mem>>)
    %dma_start3A_6 = tpu.memref_slice %arg4[%mul3A_2] : memref<1003520xi32, #tpu.memory_space<hbm>> -> memref<31360xi32, #tpu.memory_space<hbm>>
    %dma_start3A_7 = tpu.memref_slice %arg4[%mul3A_2] : memref<1003520xi32, #tpu.memory_space<hbm>> -> memref<31360xi32, #tpu.memory_space<hbm>>
    tpu.enqueue_dma source(%dma_start3A_7 : memref<31360xi32, #tpu.memory_space<hbm>>) target(%arg10 : memref<31360xi32, #tpu.memory_space<vmem>>) target_semaphore(%arg15 : memref<!tpu.dma_semaphore, #tpu.memory_space<semaphore_mem>>)
    %scan3A = arith.constant 0 : i32
    %scan3A_8 = arith.constant 65 : i32
    %scan3A_9 = arith.addi %scan3A, %scan3A_8 : i32
    %scan3A_10 = arith.constant 1 : i32
    scf.for %scan3A_286 = %scan3A to %scan3A_9 step %scan3A_10  : i32 {
      %broadcast_in_dim3A_287 = arith.constant 0.000000e+00 : f32
      %broadcast_in_dim3A_288 = vector.broadcast %broadcast_in_dim3A_287 : f32 to vector<16xf32>
      %mul3A_289 = arith.constant 16 : i32
      %mul3A_290 = arith.muli %scan3A_286, %mul3A_289 : i32
      %swap3A_291 = arith.index_cast %mul3A_290 : i32 to index
      %swap3A_292 = tpu.vector_load %arg12[%swap3A_291] {strides = array<i32>} : memref<1040xf32, #tpu.memory_space<vmem>>, vector<16xf32>,
      tpu.vector_store %arg12[%swap3A_291], %broadcast_in_dim3A_288 {strides = array<i32>} : memref<1040xf32, #tpu.memory_space<vmem>>, vector<16xf32>,
    }
    %scan3A_11 = arith.constant 65 : i32
    %dma_wait3A = tpu.memref_slice %arg2[%mul3A_2] : memref<1003520xi32, #tpu.memory_space<hbm>> -> memref<31360xi32, #tpu.memory_space<hbm>>
    %dma_wait3A_12 = tpu.memref_slice %arg2[%mul3A_2] : memref<1003520xi32, #tpu.memory_space<hbm>> -> memref<31360xi32, #tpu.memory_space<hbm>>
    tpu.wait_dma2 semaphore(%arg13 : memref<!tpu.dma_semaphore, #tpu.memory_space<semaphore_mem>>) src(%dma_wait3A_12 : memref<31360xi32, #tpu.memory_space<hbm>>) dst(%arg8 : memref<31360xi32, #tpu.memory_space<vmem>>)
    %dma_start3A_13 = arith.constant 0 : i32
    %dma_start3A_14 = tpu.memref_slice %arg11[%dma_start3A_13] : memref<31360xf32, #tpu.memory_space<vmem>> -> memref<3920xf32, #tpu.memory_space<vmem>>
    %dma_start3A_15 = arith.constant 0 : i32
    %dma_start3A_16 = tpu.memref_slice %arg8[%dma_start3A_15] : memref<31360xi32, #tpu.memory_space<vmem>> -> memref<3920xi32, #tpu.memory_space<vmem>>
    %dma_start3A_17 = arith.constant 0 : i32
    %dma_start3A_18 = tpu.memref_slice %arg5[%dma_start3A_17] : memref<6400000xf32, #tpu.memory_space<hbm>> -> memref<6400000xf32, #tpu.memory_space<hbm>>
    tpu.enqueue_indirect_dma source(%dma_start3A_18 : memref<6400000xf32, #tpu.memory_space<hbm>>) target(%dma_start3A_14 : memref<3920xf32, #tpu.memory_space<vmem>>) offsets(%dma_start3A_16 : memref<3920xi32, #tpu.memory_space<vmem>>) semaphore(%arg16 : memref<!tpu.dma_semaphore, #tpu.memory_space<semaphore_mem>>)
    %dma_start3A_19 = arith.constant 3920 : i32
    %dma_start3A_20 = tpu.memref_slice %arg11[%dma_start3A_19] : memref<31360xf32, #tpu.memory_space<vmem>> -> memref<3920xf32, #tpu.memory_space<vmem>>
    %dma_start3A_21 = arith.constant 3920 : i32
    %dma_start3A_22 = tpu.memref_slice %arg8[%dma_start3A_21] : memref<31360xi32, #tpu.memory_space<vmem>> -> memref<3920xi32, #tpu.memory_space<vmem>>
    %dma_start3A_23 = arith.constant 0 : i32
    %dma_start3A_24 = tpu.memref_slice %arg5[%dma_start3A_23] : memref<6400000xf32, #tpu.memory_space<hbm>> -> memref<6400000xf32, #tpu.memory_space<hbm>>
    tpu.enqueue_indirect_dma source(%dma_start3A_24 : memref<6400000xf32, #tpu.memory_space<hbm>>) target(%dma_start3A_20 : memref<3920xf32, #tpu.memory_space<vmem>>) offsets(%dma_start3A_22 : memref<3920xi32, #tpu.memory_space<vmem>>) semaphore(%arg17 : memref<!tpu.dma_semaphore, #tpu.memory_space<semaphore_mem>>)
    %dma_wait3A_25 = tpu.memref_slice %arg3[%mul3A_2] : memref<1003520xf32, #tpu.memory_space<hbm>> -> memref<31360xf32, #tpu.memory_space<hbm>>
    %dma_wait3A_26 = tpu.memref_slice %arg3[%mul3A_2] : memref<1003520xf32, #tpu.memory_space<hbm>> -> memref<31360xf32, #tpu.memory_space<hbm>>
    tpu.wait_dma2 semaphore(%arg14 : memref<!tpu.dma_semaphore, #tpu.memory_space<semaphore_mem>>) src(%dma_wait3A_26 : memref<31360xf32, #tpu.memory_space<hbm>>) dst(%arg9 : memref<31360xf32, #tpu.memory_space<vmem>>)
    %dma_wait3A_27 = tpu.memref_slice %arg4[%mul3A_2] : memref<1003520xi32, #tpu.memory_space<hbm>> -> memref<31360xi32, #tpu.memory_space<hbm>>
    %dma_wait3A_28 = tpu.memref_slice %arg4[%mul3A_2] : memref<1003520xi32, #tpu.memory_space<hbm>> -> memref<31360xi32, #tpu.memory_space<hbm>>
    tpu.wait_dma2 semaphore(%arg15 : memref<!tpu.dma_semaphore, #tpu.memory_space<semaphore_mem>>) src(%dma_wait3A_28 : memref<31360xi32, #tpu.memory_space<hbm>>) dst(%arg10 : memref<31360xi32, #tpu.memory_space<vmem>>)
    %iota3A = tpu.iota {dimensions = array<i32: 0>} : vector<16xi32>
    %eq3A = arith.constant 0 : i32
    %eq3A_29 = vector.broadcast %eq3A : i32 to vector<16xi32>
    %eq3A_30 = arith.cmpi eq, %iota3A, %eq3A_29 : vector<16xi32>
    %broadcast_in_dim3A = arith.constant 0.000000e+00 : f32
    %broadcast_in_dim3A_31 = vector.broadcast %broadcast_in_dim3A : f32 to vector<16xf32>
    %get3A = arith.constant 0 : index
    %get3A_32 = tpu.vector_load %arg10[%get3A] {strides = array<i32>} : memref<31360xi32, #tpu.memory_space<vmem>>, vector<16xi32>,
    %slice3A = vector.extract_strided_slice %get3A_32 {offsets = [0], sizes = [1], strides = [1]} : vector<16xi32> to vector<1xi32>
    %squeeze3A = vector.extract %slice3A[0] : i32 from vector<1xi32>
    %dma_wait3A_33 = arith.constant 0 : i32
    %dma_wait3A_34 = tpu.memref_slice %arg11[%dma_wait3A_33] : memref<31360xf32, #tpu.memory_space<vmem>> -> memref<3920xf32, #tpu.memory_space<vmem>>
    %dma_wait3A_35 = arith.constant 0 : i32
    %dma_wait3A_36 = tpu.memref_slice %arg8[%dma_wait3A_35] : memref<31360xi32, #tpu.memory_space<vmem>> -> memref<3920xi32, #tpu.memory_space<vmem>>
    %dma_wait3A_37 = arith.constant 0 : i32
    %dma_wait3A_38 = tpu.memref_slice %arg5[%dma_wait3A_37] : memref<6400000xf32, #tpu.memory_space<hbm>> -> memref<6400000xf32, #tpu.memory_space<hbm>>
    tpu.wait_indirect_dma semaphore(%arg16 : memref<!tpu.dma_semaphore, #tpu.memory_space<semaphore_mem>>) src(%dma_wait3A_38 : memref<6400000xf32, #tpu.memory_space<hbm>>) dst(%dma_wait3A_34 : memref<3920xf32, #tpu.memory_space<vmem>>)
    %dma_start3A_39 = arith.constant 7840 : i32
    %dma_start3A_40 = tpu.memref_slice %arg11[%dma_start3A_39] : memref<31360xf32, #tpu.memory_space<vmem>> -> memref<3920xf32, #tpu.memory_space<vmem>>
    %dma_start3A_41 = arith.constant 7840 : i32
    %dma_start3A_42 = tpu.memref_slice %arg8[%dma_start3A_41] : memref<31360xi32, #tpu.memory_space<vmem>> -> memref<3920xi32, #tpu.memory_space<vmem>>
    %dma_start3A_43 = arith.constant 0 : i32
    %dma_start3A_44 = tpu.memref_slice %arg5[%dma_start3A_43] : memref<6400000xf32, #tpu.memory_space<hbm>> -> memref<6400000xf32, #tpu.memory_space<hbm>>
    tpu.enqueue_indirect_dma source(%dma_start3A_44 : memref<6400000xf32, #tpu.memory_space<hbm>>) target(%dma_start3A_40 : memref<3920xf32, #tpu.memory_space<vmem>>) offsets(%dma_start3A_42 : memref<3920xi32, #tpu.memory_space<vmem>>) semaphore(%arg16 : memref<!tpu.dma_semaphore, #tpu.memory_space<semaphore_mem>>)
    %scan3A_45 = arith.constant 0 : i32
    %scan3A_46 = arith.constant 245 : i32
    %scan3A_47 = arith.addi %scan3A_45, %scan3A_46 : i32
    %scan3A_48 = arith.constant 1 : i32
    %scan3A_49:2 = scf.for %scan3A_286 = %scan3A_45 to %scan3A_47 step %scan3A_48 iter_args(%scan3A_287 = %broadcast_in_dim3A_31, %scan3A_288 = %squeeze3A) -> (vector<16xf32>, i32)  : i32 {
      %mul3A_289 = arith.constant 16 : i32
      %mul3A_290 = arith.muli %scan3A_286, %mul3A_289 : i32
      %add3A_291 = arith.constant 0 : i32
      %add3A_292 = arith.addi %add3A_291, %mul3A_290 : i32
      %get3A_293 = arith.index_cast %add3A_292 : i32 to index
      %get3A_294 = tpu.vector_load %arg11[%get3A_293] {strides = array<i32>} : memref<31360xf32, #tpu.memory_space<vmem>>, vector<16xf32>,
      %get3A_295 = arith.index_cast %add3A_292 : i32 to index
      %get3A_296 = tpu.vector_load %arg9[%get3A_295] {strides = array<i32>} : memref<31360xf32, #tpu.memory_space<vmem>>, vector<16xf32>,
      %add3A_297 = arith.addf %get3A_294, %get3A_296 : vector<16xf32>
      %exp3A = math.exp %add3A_297 : vector<16xf32>
      %swap3A_298 = arith.index_cast %add3A_292 : i32 to index
      %swap3A_299 = tpu.vector_load %arg11[%swap3A_298] {strides = array<i32>} : memref<31360xf32, #tpu.memory_space<vmem>>, vector<16xf32>,
      tpu.vector_store %arg11[%swap3A_298], %exp3A {strides = array<i32>} : memref<31360xf32, #tpu.memory_space<vmem>>, vector<16xf32>,
      %get3A_300 = arith.index_cast %add3A_292 : i32 to index
      %get3A_301 = tpu.vector_load %arg10[%get3A_300] {strides = array<i32>} : memref<31360xi32, #tpu.memory_space<vmem>>, vector<16xi32>,
      %slice3A_302 = vector.extract_strided_slice %get3A_301 {offsets = [0], sizes = [1], strides = [1]} : vector<16xi32> to vector<1xi32>
      %squeeze3A_303 = vector.extract %slice3A_302[0] : i32 from vector<1xi32>
      %slice3A_304 = vector.extract_strided_slice %get3A_301 {offsets = [15], sizes = [1], strides = [1]} : vector<16xi32> to vector<1xi32>
      %squeeze3A_305 = vector.extract %slice3A_304[0] : i32 from vector<1xi32>
      %eq3A_306 = arith.cmpi eq, %squeeze3A_303, %squeeze3A_305 : i32
      %eq3A_307 = arith.cmpi eq, %squeeze3A_303, %scan3A_288 : i32
      %and3A = arith.andi %eq3A_306, %eq3A_307 : i1
      %ne3A = arith.cmpi ne, %squeeze3A_303, %squeeze3A_305 : i32
      %not3A = arith.constant true
      %not3A_308 = arith.xori %and3A, %not3A : i1
      %convert_element_type3A = arith.extui %not3A_308 : i1 to i32
      %cond3A = arith.constant 0 : i32
      %cond3A_309 = arith.cmpi ne, %convert_element_type3A, %cond3A : i32
      scf.if %cond3A_309 {
        %get3A_319 = arith.index_cast %scan3A_288 : i32 to index
        %get3A_320 = tpu.vector_load %arg12[%get3A_319] {strides = array<i32>} : memref<1040xf32, #tpu.memory_space<vmem>>, vector<16xf32>,
        %reduce_sum3A_321 = arith.constant true
        %reduce_sum3A_322 = vector.broadcast %reduce_sum3A_321 : i1 to vector<16xi1>
        %reduce_sum3A_323 = tpu.scan <sum>, %scan3A_287 masked %reduce_sum3A_322 : vector<16xf32>, vector<16xi1> -> vector<16xf32>
        %reduce_sum3A_324 = vector.extract %reduce_sum3A_323[15] : f32 from vector<16xf32>
        %jit3A_325 = arith.constant 0.000000e+00 : f32
        %broadcast_in_dim3A_326 = vector.broadcast %reduce_sum3A_324 : f32 to vector<16xf32>
        %broadcast_in_dim3A_327 = vector.broadcast %jit3A_325 : f32 to vector<16xf32>
        %select_n3A_328 = arith.select %eq3A_30, %broadcast_in_dim3A_326, %broadcast_in_dim3A_327 : vector<16xi1>, vector<16xf32>
        %add3A_329 = arith.addf %get3A_320, %select_n3A_328 : vector<16xf32>
        %swap3A_330 = arith.index_cast %scan3A_288 : i32 to index
        %swap3A_331 = tpu.vector_load %arg12[%swap3A_330] {strides = array<i32>} : memref<1040xf32, #tpu.memory_space<vmem>>, vector<16xf32>,
        tpu.vector_store %arg12[%swap3A_330], %add3A_329 {strides = array<i32>} : memref<1040xf32, #tpu.memory_space<vmem>>, vector<16xf32>,
      } else {
      }
      %convert_element_type3A_310 = arith.extui %ne3A : i1 to i32
      %cond3A_311 = arith.constant 0 : i32
      %cond3A_312 = arith.cmpi ne, %convert_element_type3A_310, %cond3A_311 : i32
      scf.if %cond3A_312 {
        tpu.vector_store_idx %arg12[%get3A_301], %exp3A {add = true} : memref<1040xf32, #tpu.memory_space<vmem>>[vector<16xi32>], vector<16xf32>,
      } else {
      }
      %add3A_313 = arith.addf %scan3A_287, %exp3A : vector<16xf32>
      %broadcast_in_dim3A_314 = arith.constant 0.000000e+00 : f32
      %broadcast_in_dim3A_315 = vector.broadcast %broadcast_in_dim3A_314 : f32 to vector<16xf32>
      %select_n3A_316 = arith.select %ne3A, %broadcast_in_dim3A_315, %exp3A : vector<16xf32>
      %select_n3A_317 = arith.select %and3A, %add3A_313, %select_n3A_316 : vector<16xf32>
      %select_n3A_318 = arith.select %and3A, %scan3A_288, %squeeze3A_305 : i32
      scf.yield %select_n3A_317, %select_n3A_318 : vector<16xf32>, i32
    }
    %scan3A_50 = arith.constant 245 : i32
    %add3A_51 = arith.constant 0 : i32
    %add3A_52 = arith.addi %mul3A_2, %add3A_51 : i32
    %dma_start3A_53 = arith.constant 0 : i32
    %dma_start3A_54 = tpu.memref_slice %arg11[%dma_start3A_53] : memref<31360xf32, #tpu.memory_space<vmem>> -> memref<3920xf32, #tpu.memory_space<vmem>>
    %dma_start3A_55 = tpu.memref_slice %arg6[%add3A_52] : memref<1003520xf32, #tpu.memory_space<hbm>> -> memref<3920xf32, #tpu.memory_space<hbm>>
    %dma_start3A_56 = tpu.memref_slice %arg6[%add3A_52] : memref<1003520xf32, #tpu.memory_space<hbm>> -> memref<3920xf32, #tpu.memory_space<hbm>>
    %dma_start3A_57 = arith.constant 0 : i32
    %dma_start3A_58 = tpu.memref_slice %arg11[%dma_start3A_57] : memref<31360xf32, #tpu.memory_space<vmem>> -> memref<3920xf32, #tpu.memory_space<vmem>>
    tpu.enqueue_dma source(%dma_start3A_58 : memref<3920xf32, #tpu.memory_space<vmem>>) target(%dma_start3A_56 : memref<3920xf32, #tpu.memory_space<hbm>>) target_semaphore(%arg18 : memref<!tpu.dma_semaphore, #tpu.memory_space<semaphore_mem>>)
    %dma_wait3A_59 = arith.constant 3920 : i32
    %dma_wait3A_60 = tpu.memref_slice %arg11[%dma_wait3A_59] : memref<31360xf32, #tpu.memory_space<vmem>> -> memref<3920xf32, #tpu.memory_space<vmem>>
    %dma_wait3A_61 = arith.constant 3920 : i32
    %dma_wait3A_62 = tpu.memref_slice %arg8[%dma_wait3A_61] : memref<31360xi32, #tpu.memory_space<vmem>> -> memref<3920xi32, #tpu.memory_space<vmem>>
    %dma_wait3A_63 = arith.constant 0 : i32
    %dma_wait3A_64 = tpu.memref_slice %arg5[%dma_wait3A_63] : memref<6400000xf32, #tpu.memory_space<hbm>> -> memref<6400000xf32, #tpu.memory_space<hbm>>
    tpu.wait_indirect_dma semaphore(%arg17 : memref<!tpu.dma_semaphore, #tpu.memory_space<semaphore_mem>>) src(%dma_wait3A_64 : memref<6400000xf32, #tpu.memory_space<hbm>>) dst(%dma_wait3A_60 : memref<3920xf32, #tpu.memory_space<vmem>>)
    %dma_start3A_65 = arith.constant 11760 : i32
    %dma_start3A_66 = tpu.memref_slice %arg11[%dma_start3A_65] : memref<31360xf32, #tpu.memory_space<vmem>> -> memref<3920xf32, #tpu.memory_space<vmem>>
    %dma_start3A_67 = arith.constant 11760 : i32
    %dma_start3A_68 = tpu.memref_slice %arg8[%dma_start3A_67] : memref<31360xi32, #tpu.memory_space<vmem>> -> memref<3920xi32, #tpu.memory_space<vmem>>
    %dma_start3A_69 = arith.constant 0 : i32
    %dma_start3A_70 = tpu.memref_slice %arg5[%dma_start3A_69] : memref<6400000xf32, #tpu.memory_space<hbm>> -> memref<6400000xf32, #tpu.memory_space<hbm>>
    tpu.enqueue_indirect_dma source(%dma_start3A_70 : memref<6400000xf32, #tpu.memory_space<hbm>>) target(%dma_start3A_66 : memref<3920xf32, #tpu.memory_space<vmem>>) offsets(%dma_start3A_68 : memref<3920xi32, #tpu.memory_space<vmem>>) semaphore(%arg17 : memref<!tpu.dma_semaphore, #tpu.memory_space<semaphore_mem>>)
    %scan3A_71 = arith.constant 0 : i32
    %scan3A_72 = arith.constant 245 : i32
    %scan3A_73 = arith.addi %scan3A_71, %scan3A_72 : i32
    %scan3A_74 = arith.constant 1 : i32
    %scan3A_75:2 = scf.for %scan3A_286 = %scan3A_71 to %scan3A_73 step %scan3A_74 iter_args(%scan3A_287 = %scan3A_49#0, %scan3A_288 = %scan3A_49#1) -> (vector<16xf32>, i32)  : i32 {
      %mul3A_289 = arith.constant 16 : i32
      %mul3A_290 = arith.muli %scan3A_286, %mul3A_289 : i32
      %add3A_291 = arith.constant 3920 : i32
      %add3A_292 = arith.addi %add3A_291, %mul3A_290 : i32
      %get3A_293 = arith.index_cast %add3A_292 : i32 to index
      %get3A_294 = tpu.vector_load %arg11[%get3A_293] {strides = array<i32>} : memref<31360xf32, #tpu.memory_space<vmem>>, vector<16xf32>,
      %get3A_295 = arith.index_cast %add3A_292 : i32 to index
      %get3A_296 = tpu.vector_load %arg9[%get3A_295] {strides = array<i32>} : memref<31360xf32, #tpu.memory_space<vmem>>, vector<16xf32>,
      %add3A_297 = arith.addf %get3A_294, %get3A_296 : vector<16xf32>
      %exp3A = math.exp %add3A_297 : vector<16xf32>
      %swap3A_298 = arith.index_cast %add3A_292 : i32 to index
      %swap3A_299 = tpu.vector_load %arg11[%swap3A_298] {strides = array<i32>} : memref<31360xf32, #tpu.memory_space<vmem>>, vector<16xf32>,
      tpu.vector_store %arg11[%swap3A_298], %exp3A {strides = array<i32>} : memref<31360xf32, #tpu.memory_space<vmem>>, vector<16xf32>,
      %get3A_300 = arith.index_cast %add3A_292 : i32 to index
      %get3A_301 = tpu.vector_load %arg10[%get3A_300] {strides = array<i32>} : memref<31360xi32, #tpu.memory_space<vmem>>, vector<16xi32>,
      %slice3A_302 = vector.extract_strided_slice %get3A_301 {offsets = [0], sizes = [1], strides = [1]} : vector<16xi32> to vector<1xi32>
      %squeeze3A_303 = vector.extract %slice3A_302[0] : i32 from vector<1xi32>
      %slice3A_304 = vector.extract_strided_slice %get3A_301 {offsets = [15], sizes = [1], strides = [1]} : vector<16xi32> to vector<1xi32>
      %squeeze3A_305 = vector.extract %slice3A_304[0] : i32 from vector<1xi32>
      %eq3A_306 = arith.cmpi eq, %squeeze3A_303, %squeeze3A_305 : i32
      %eq3A_307 = arith.cmpi eq, %squeeze3A_303, %scan3A_288 : i32
      %and3A = arith.andi %eq3A_306, %eq3A_307 : i1
      %ne3A = arith.cmpi ne, %squeeze3A_303, %squeeze3A_305 : i32
      %not3A = arith.constant true
      %not3A_308 = arith.xori %and3A, %not3A : i1
      %convert_element_type3A = arith.extui %not3A_308 : i1 to i32
      %cond3A = arith.constant 0 : i32
      %cond3A_309 = arith.cmpi ne, %convert_element_type3A, %cond3A : i32
      scf.if %cond3A_309 {
        %get3A_319 = arith.index_cast %scan3A_288 : i32 to index
        %get3A_320 = tpu.vector_load %arg12[%get3A_319] {strides = array<i32>} : memref<1040xf32, #tpu.memory_space<vmem>>, vector<16xf32>,
        %reduce_sum3A_321 = arith.constant true
        %reduce_sum3A_322 = vector.broadcast %reduce_sum3A_321 : i1 to vector<16xi1>
        %reduce_sum3A_323 = tpu.scan <sum>, %scan3A_287 masked %reduce_sum3A_322 : vector<16xf32>, vector<16xi1> -> vector<16xf32>
        %reduce_sum3A_324 = vector.extract %reduce_sum3A_323[15] : f32 from vector<16xf32>
        %jit3A_325 = arith.constant 0.000000e+00 : f32
        %broadcast_in_dim3A_326 = vector.broadcast %reduce_sum3A_324 : f32 to vector<16xf32>
        %broadcast_in_dim3A_327 = vector.broadcast %jit3A_325 : f32 to vector<16xf32>
        %select_n3A_328 = arith.select %eq3A_30, %broadcast_in_dim3A_326, %broadcast_in_dim3A_327 : vector<16xi1>, vector<16xf32>
        %add3A_329 = arith.addf %get3A_320, %select_n3A_328 : vector<16xf32>
        %swap3A_330 = arith.index_cast %scan3A_288 : i32 to index
        %swap3A_331 = tpu.vector_load %arg12[%swap3A_330] {strides = array<i32>} : memref<1040xf32, #tpu.memory_space<vmem>>, vector<16xf32>,
        tpu.vector_store %arg12[%swap3A_330], %add3A_329 {strides = array<i32>} : memref<1040xf32, #tpu.memory_space<vmem>>, vector<16xf32>,
      } else {
      }
      %convert_element_type3A_310 = arith.extui %ne3A : i1 to i32
      %cond3A_311 = arith.constant 0 : i32
      %cond3A_312 = arith.cmpi ne, %convert_element_type3A_310, %cond3A_311 : i32
      scf.if %cond3A_312 {
        tpu.vector_store_idx %arg12[%get3A_301], %exp3A {add = true} : memref<1040xf32, #tpu.memory_space<vmem>>[vector<16xi32>], vector<16xf32>,
      } else {
      }
      %add3A_313 = arith.addf %scan3A_287, %exp3A : vector<16xf32>
      %broadcast_in_dim3A_314 = arith.constant 0.000000e+00 : f32
      %broadcast_in_dim3A_315 = vector.broadcast %broadcast_in_dim3A_314 : f32 to vector<16xf32>
      %select_n3A_316 = arith.select %ne3A, %broadcast_in_dim3A_315, %exp3A : vector<16xf32>
      %select_n3A_317 = arith.select %and3A, %add3A_313, %select_n3A_316 : vector<16xf32>
      %select_n3A_318 = arith.select %and3A, %scan3A_288, %squeeze3A_305 : i32
      scf.yield %select_n3A_317, %select_n3A_318 : vector<16xf32>, i32
    }
    %scan3A_76 = arith.constant 245 : i32
    %add3A_77 = arith.constant 3920 : i32
    %add3A_78 = arith.addi %mul3A_2, %add3A_77 : i32
    %dma_start3A_79 = arith.constant 3920 : i32
    %dma_start3A_80 = tpu.memref_slice %arg11[%dma_start3A_79] : memref<31360xf32, #tpu.memory_space<vmem>> -> memref<3920xf32, #tpu.memory_space<vmem>>
    %dma_start3A_81 = tpu.memref_slice %arg6[%add3A_78] : memref<1003520xf32, #tpu.memory_space<hbm>> -> memref<3920xf32, #tpu.memory_space<hbm>>
    %dma_start3A_82 = tpu.memref_slice %arg6[%add3A_78] : memref<1003520xf32, #tpu.memory_space<hbm>> -> memref<3920xf32, #tpu.memory_space<hbm>>
    %dma_start3A_83 = arith.constant 3920 : i32
    %dma_start3A_84 = tpu.memref_slice %arg11[%dma_start3A_83] : memref<31360xf32, #tpu.memory_space<vmem>> -> memref<3920xf32, #tpu.memory_space<vmem>>
    tpu.enqueue_dma source(%dma_start3A_84 : memref<3920xf32, #tpu.memory_space<vmem>>) target(%dma_start3A_82 : memref<3920xf32, #tpu.memory_space<hbm>>) target_semaphore(%arg18 : memref<!tpu.dma_semaphore, #tpu.memory_space<semaphore_mem>>)
    %dma_wait3A_85 = arith.constant 7840 : i32
    %dma_wait3A_86 = tpu.memref_slice %arg11[%dma_wait3A_85] : memref<31360xf32, #tpu.memory_space<vmem>> -> memref<3920xf32, #tpu.memory_space<vmem>>
    %dma_wait3A_87 = arith.constant 7840 : i32
    %dma_wait3A_88 = tpu.memref_slice %arg8[%dma_wait3A_87] : memref<31360xi32, #tpu.memory_space<vmem>> -> memref<3920xi32, #tpu.memory_space<vmem>>
    %dma_wait3A_89 = arith.constant 0 : i32
    %dma_wait3A_90 = tpu.memref_slice %arg5[%dma_wait3A_89] : memref<6400000xf32, #tpu.memory_space<hbm>> -> memref<6400000xf32, #tpu.memory_space<hbm>>
    tpu.wait_indirect_dma semaphore(%arg16 : memref<!tpu.dma_semaphore, #tpu.memory_space<semaphore_mem>>) src(%dma_wait3A_90 : memref<6400000xf32, #tpu.memory_space<hbm>>) dst(%dma_wait3A_86 : memref<3920xf32, #tpu.memory_space<vmem>>)
    %dma_start3A_91 = arith.constant 15680 : i32
    %dma_start3A_92 = tpu.memref_slice %arg11[%dma_start3A_91] : memref<31360xf32, #tpu.memory_space<vmem>> -> memref<3920xf32, #tpu.memory_space<vmem>>
    %dma_start3A_93 = arith.constant 15680 : i32
    %dma_start3A_94 = tpu.memref_slice %arg8[%dma_start3A_93] : memref<31360xi32, #tpu.memory_space<vmem>> -> memref<3920xi32, #tpu.memory_space<vmem>>
    %dma_start3A_95 = arith.constant 0 : i32
    %dma_start3A_96 = tpu.memref_slice %arg5[%dma_start3A_95] : memref<6400000xf32, #tpu.memory_space<hbm>> -> memref<6400000xf32, #tpu.memory_space<hbm>>
    tpu.enqueue_indirect_dma source(%dma_start3A_96 : memref<6400000xf32, #tpu.memory_space<hbm>>) target(%dma_start3A_92 : memref<3920xf32, #tpu.memory_space<vmem>>) offsets(%dma_start3A_94 : memref<3920xi32, #tpu.memory_space<vmem>>) semaphore(%arg16 : memref<!tpu.dma_semaphore, #tpu.memory_space<semaphore_mem>>)
    %scan3A_97 = arith.constant 0 : i32
    %scan3A_98 = arith.constant 245 : i32
    %scan3A_99 = arith.addi %scan3A_97, %scan3A_98 : i32
    %scan3A_100 = arith.constant 1 : i32
    %scan3A_101:2 = scf.for %scan3A_286 = %scan3A_97 to %scan3A_99 step %scan3A_100 iter_args(%scan3A_287 = %scan3A_75#0, %scan3A_288 = %scan3A_75#1) -> (vector<16xf32>, i32)  : i32 {
      %mul3A_289 = arith.constant 16 : i32
      %mul3A_290 = arith.muli %scan3A_286, %mul3A_289 : i32
      %add3A_291 = arith.constant 7840 : i32
      %add3A_292 = arith.addi %add3A_291, %mul3A_290 : i32
      %get3A_293 = arith.index_cast %add3A_292 : i32 to index
      %get3A_294 = tpu.vector_load %arg11[%get3A_293] {strides = array<i32>} : memref<31360xf32, #tpu.memory_space<vmem>>, vector<16xf32>,
      %get3A_295 = arith.index_cast %add3A_292 : i32 to index
      %get3A_296 = tpu.vector_load %arg9[%get3A_295] {strides = array<i32>} : memref<31360xf32, #tpu.memory_space<vmem>>, vector<16xf32>,
      %add3A_297 = arith.addf %get3A_294, %get3A_296 : vector<16xf32>
      %exp3A = math.exp %add3A_297 : vector<16xf32>
      %swap3A_298 = arith.index_cast %add3A_292 : i32 to index
      %swap3A_299 = tpu.vector_load %arg11[%swap3A_298] {strides = array<i32>} : memref<31360xf32, #tpu.memory_space<vmem>>, vector<16xf32>,
      tpu.vector_store %arg11[%swap3A_298], %exp3A {strides = array<i32>} : memref<31360xf32, #tpu.memory_space<vmem>>, vector<16xf32>,
      %get3A_300 = arith.index_cast %add3A_292 : i32 to index
      %get3A_301 = tpu.vector_load %arg10[%get3A_300] {strides = array<i32>} : memref<31360xi32, #tpu.memory_space<vmem>>, vector<16xi32>,
      %slice3A_302 = vector.extract_strided_slice %get3A_301 {offsets = [0], sizes = [1], strides = [1]} : vector<16xi32> to vector<1xi32>
      %squeeze3A_303 = vector.extract %slice3A_302[0] : i32 from vector<1xi32>
      %slice3A_304 = vector.extract_strided_slice %get3A_301 {offsets = [15], sizes = [1], strides = [1]} : vector<16xi32> to vector<1xi32>
      %squeeze3A_305 = vector.extract %slice3A_304[0] : i32 from vector<1xi32>
      %eq3A_306 = arith.cmpi eq, %squeeze3A_303, %squeeze3A_305 : i32
      %eq3A_307 = arith.cmpi eq, %squeeze3A_303, %scan3A_288 : i32
      %and3A = arith.andi %eq3A_306, %eq3A_307 : i1
      %ne3A = arith.cmpi ne, %squeeze3A_303, %squeeze3A_305 : i32
      %not3A = arith.constant true
      %not3A_308 = arith.xori %and3A, %not3A : i1
      %convert_element_type3A = arith.extui %not3A_308 : i1 to i32
      %cond3A = arith.constant 0 : i32
      %cond3A_309 = arith.cmpi ne, %convert_element_type3A, %cond3A : i32
      scf.if %cond3A_309 {
        %get3A_319 = arith.index_cast %scan3A_288 : i32 to index
        %get3A_320 = tpu.vector_load %arg12[%get3A_319] {strides = array<i32>} : memref<1040xf32, #tpu.memory_space<vmem>>, vector<16xf32>,
        %reduce_sum3A_321 = arith.constant true
        %reduce_sum3A_322 = vector.broadcast %reduce_sum3A_321 : i1 to vector<16xi1>
        %reduce_sum3A_323 = tpu.scan <sum>, %scan3A_287 masked %reduce_sum3A_322 : vector<16xf32>, vector<16xi1> -> vector<16xf32>
        %reduce_sum3A_324 = vector.extract %reduce_sum3A_323[15] : f32 from vector<16xf32>
        %jit3A_325 = arith.constant 0.000000e+00 : f32
        %broadcast_in_dim3A_326 = vector.broadcast %reduce_sum3A_324 : f32 to vector<16xf32>
        %broadcast_in_dim3A_327 = vector.broadcast %jit3A_325 : f32 to vector<16xf32>
        %select_n3A_328 = arith.select %eq3A_30, %broadcast_in_dim3A_326, %broadcast_in_dim3A_327 : vector<16xi1>, vector<16xf32>
        %add3A_329 = arith.addf %get3A_320, %select_n3A_328 : vector<16xf32>
        %swap3A_330 = arith.index_cast %scan3A_288 : i32 to index
        %swap3A_331 = tpu.vector_load %arg12[%swap3A_330] {strides = array<i32>} : memref<1040xf32, #tpu.memory_space<vmem>>, vector<16xf32>,
        tpu.vector_store %arg12[%swap3A_330], %add3A_329 {strides = array<i32>} : memref<1040xf32, #tpu.memory_space<vmem>>, vector<16xf32>,
      } else {
      }
      %convert_element_type3A_310 = arith.extui %ne3A : i1 to i32
      %cond3A_311 = arith.constant 0 : i32
      %cond3A_312 = arith.cmpi ne, %convert_element_type3A_310, %cond3A_311 : i32
      scf.if %cond3A_312 {
        tpu.vector_store_idx %arg12[%get3A_301], %exp3A {add = true} : memref<1040xf32, #tpu.memory_space<vmem>>[vector<16xi32>], vector<16xf32>,
      } else {
      }
      %add3A_313 = arith.addf %scan3A_287, %exp3A : vector<16xf32>
      %broadcast_in_dim3A_314 = arith.constant 0.000000e+00 : f32
      %broadcast_in_dim3A_315 = vector.broadcast %broadcast_in_dim3A_314 : f32 to vector<16xf32>
      %select_n3A_316 = arith.select %ne3A, %broadcast_in_dim3A_315, %exp3A : vector<16xf32>
      %select_n3A_317 = arith.select %and3A, %add3A_313, %select_n3A_316 : vector<16xf32>
      %select_n3A_318 = arith.select %and3A, %scan3A_288, %squeeze3A_305 : i32
      scf.yield %select_n3A_317, %select_n3A_318 : vector<16xf32>, i32
    }
    %scan3A_102 = arith.constant 245 : i32
    %add3A_103 = arith.constant 7840 : i32
    %add3A_104 = arith.addi %mul3A_2, %add3A_103 : i32
    %dma_start3A_105 = arith.constant 7840 : i32
    %dma_start3A_106 = tpu.memref_slice %arg11[%dma_start3A_105] : memref<31360xf32, #tpu.memory_space<vmem>> -> memref<3920xf32, #tpu.memory_space<vmem>>
    %dma_start3A_107 = tpu.memref_slice %arg6[%add3A_104] : memref<1003520xf32, #tpu.memory_space<hbm>> -> memref<3920xf32, #tpu.memory_space<hbm>>
    %dma_start3A_108 = tpu.memref_slice %arg6[%add3A_104] : memref<1003520xf32, #tpu.memory_space<hbm>> -> memref<3920xf32, #tpu.memory_space<hbm>>
    %dma_start3A_109 = arith.constant 7840 : i32
    %dma_start3A_110 = tpu.memref_slice %arg11[%dma_start3A_109] : memref<31360xf32, #tpu.memory_space<vmem>> -> memref<3920xf32, #tpu.memory_space<vmem>>
    tpu.enqueue_dma source(%dma_start3A_110 : memref<3920xf32, #tpu.memory_space<vmem>>) target(%dma_start3A_108 : memref<3920xf32, #tpu.memory_space<hbm>>) target_semaphore(%arg18 : memref<!tpu.dma_semaphore, #tpu.memory_space<semaphore_mem>>)
    %dma_wait3A_111 = arith.constant 11760 : i32
    %dma_wait3A_112 = tpu.memref_slice %arg11[%dma_wait3A_111] : memref<31360xf32, #tpu.memory_space<vmem>> -> memref<3920xf32, #tpu.memory_space<vmem>>
    %dma_wait3A_113 = arith.constant 11760 : i32
    %dma_wait3A_114 = tpu.memref_slice %arg8[%dma_wait3A_113] : memref<31360xi32, #tpu.memory_space<vmem>> -> memref<3920xi32, #tpu.memory_space<vmem>>
    %dma_wait3A_115 = arith.constant 0 : i32
    %dma_wait3A_116 = tpu.memref_slice %arg5[%dma_wait3A_115] : memref<6400000xf32, #tpu.memory_space<hbm>> -> memref<6400000xf32, #tpu.memory_space<hbm>>
    tpu.wait_indirect_dma semaphore(%arg17 : memref<!tpu.dma_semaphore, #tpu.memory_space<semaphore_mem>>) src(%dma_wait3A_116 : memref<6400000xf32, #tpu.memory_space<hbm>>) dst(%dma_wait3A_112 : memref<3920xf32, #tpu.memory_space<vmem>>)
    %dma_start3A_117 = arith.constant 19600 : i32
    %dma_start3A_118 = tpu.memref_slice %arg11[%dma_start3A_117] : memref<31360xf32, #tpu.memory_space<vmem>> -> memref<3920xf32, #tpu.memory_space<vmem>>
    %dma_start3A_119 = arith.constant 19600 : i32
    %dma_start3A_120 = tpu.memref_slice %arg8[%dma_start3A_119] : memref<31360xi32, #tpu.memory_space<vmem>> -> memref<3920xi32, #tpu.memory_space<vmem>>
    %dma_start3A_121 = arith.constant 0 : i32
    %dma_start3A_122 = tpu.memref_slice %arg5[%dma_start3A_121] : memref<6400000xf32, #tpu.memory_space<hbm>> -> memref<6400000xf32, #tpu.memory_space<hbm>>
    tpu.enqueue_indirect_dma source(%dma_start3A_122 : memref<6400000xf32, #tpu.memory_space<hbm>>) target(%dma_start3A_118 : memref<3920xf32, #tpu.memory_space<vmem>>) offsets(%dma_start3A_120 : memref<3920xi32, #tpu.memory_space<vmem>>) semaphore(%arg17 : memref<!tpu.dma_semaphore, #tpu.memory_space<semaphore_mem>>)
    %scan3A_123 = arith.constant 0 : i32
    %scan3A_124 = arith.constant 245 : i32
    %scan3A_125 = arith.addi %scan3A_123, %scan3A_124 : i32
    %scan3A_126 = arith.constant 1 : i32
    %scan3A_127:2 = scf.for %scan3A_286 = %scan3A_123 to %scan3A_125 step %scan3A_126 iter_args(%scan3A_287 = %scan3A_101#0, %scan3A_288 = %scan3A_101#1) -> (vector<16xf32>, i32)  : i32 {
      %mul3A_289 = arith.constant 16 : i32
      %mul3A_290 = arith.muli %scan3A_286, %mul3A_289 : i32
      %add3A_291 = arith.constant 11760 : i32
      %add3A_292 = arith.addi %add3A_291, %mul3A_290 : i32
      %get3A_293 = arith.index_cast %add3A_292 : i32 to index
      %get3A_294 = tpu.vector_load %arg11[%get3A_293] {strides = array<i32>} : memref<31360xf32, #tpu.memory_space<vmem>>, vector<16xf32>,
      %get3A_295 = arith.index_cast %add3A_292 : i32 to index
      %get3A_296 = tpu.vector_load %arg9[%get3A_295] {strides = array<i32>} : memref<31360xf32, #tpu.memory_space<vmem>>, vector<16xf32>,
      %add3A_297 = arith.addf %get3A_294, %get3A_296 : vector<16xf32>
      %exp3A = math.exp %add3A_297 : vector<16xf32>
      %swap3A_298 = arith.index_cast %add3A_292 : i32 to index
      %swap3A_299 = tpu.vector_load %arg11[%swap3A_298] {strides = array<i32>} : memref<31360xf32, #tpu.memory_space<vmem>>, vector<16xf32>,
      tpu.vector_store %arg11[%swap3A_298], %exp3A {strides = array<i32>} : memref<31360xf32, #tpu.memory_space<vmem>>, vector<16xf32>,
      %get3A_300 = arith.index_cast %add3A_292 : i32 to index
      %get3A_301 = tpu.vector_load %arg10[%get3A_300] {strides = array<i32>} : memref<31360xi32, #tpu.memory_space<vmem>>, vector<16xi32>,
      %slice3A_302 = vector.extract_strided_slice %get3A_301 {offsets = [0], sizes = [1], strides = [1]} : vector<16xi32> to vector<1xi32>
      %squeeze3A_303 = vector.extract %slice3A_302[0] : i32 from vector<1xi32>
      %slice3A_304 = vector.extract_strided_slice %get3A_301 {offsets = [15], sizes = [1], strides = [1]} : vector<16xi32> to vector<1xi32>
      %squeeze3A_305 = vector.extract %slice3A_304[0] : i32 from vector<1xi32>
      %eq3A_306 = arith.cmpi eq, %squeeze3A_303, %squeeze3A_305 : i32
      %eq3A_307 = arith.cmpi eq, %squeeze3A_303, %scan3A_288 : i32
      %and3A = arith.andi %eq3A_306, %eq3A_307 : i1
      %ne3A = arith.cmpi ne, %squeeze3A_303, %squeeze3A_305 : i32
      %not3A = arith.constant true
      %not3A_308 = arith.xori %and3A, %not3A : i1
      %convert_element_type3A = arith.extui %not3A_308 : i1 to i32
      %cond3A = arith.constant 0 : i32
      %cond3A_309 = arith.cmpi ne, %convert_element_type3A, %cond3A : i32
      scf.if %cond3A_309 {
        %get3A_319 = arith.index_cast %scan3A_288 : i32 to index
        %get3A_320 = tpu.vector_load %arg12[%get3A_319] {strides = array<i32>} : memref<1040xf32, #tpu.memory_space<vmem>>, vector<16xf32>,
        %reduce_sum3A_321 = arith.constant true
        %reduce_sum3A_322 = vector.broadcast %reduce_sum3A_321 : i1 to vector<16xi1>
        %reduce_sum3A_323 = tpu.scan <sum>, %scan3A_287 masked %reduce_sum3A_322 : vector<16xf32>, vector<16xi1> -> vector<16xf32>
        %reduce_sum3A_324 = vector.extract %reduce_sum3A_323[15] : f32 from vector<16xf32>
        %jit3A_325 = arith.constant 0.000000e+00 : f32
        %broadcast_in_dim3A_326 = vector.broadcast %reduce_sum3A_324 : f32 to vector<16xf32>
        %broadcast_in_dim3A_327 = vector.broadcast %jit3A_325 : f32 to vector<16xf32>
        %select_n3A_328 = arith.select %eq3A_30, %broadcast_in_dim3A_326, %broadcast_in_dim3A_327 : vector<16xi1>, vector<16xf32>
        %add3A_329 = arith.addf %get3A_320, %select_n3A_328 : vector<16xf32>
        %swap3A_330 = arith.index_cast %scan3A_288 : i32 to index
        %swap3A_331 = tpu.vector_load %arg12[%swap3A_330] {strides = array<i32>} : memref<1040xf32, #tpu.memory_space<vmem>>, vector<16xf32>,
        tpu.vector_store %arg12[%swap3A_330], %add3A_329 {strides = array<i32>} : memref<1040xf32, #tpu.memory_space<vmem>>, vector<16xf32>,
      } else {
      }
      %convert_element_type3A_310 = arith.extui %ne3A : i1 to i32
      %cond3A_311 = arith.constant 0 : i32
      %cond3A_312 = arith.cmpi ne, %convert_element_type3A_310, %cond3A_311 : i32
      scf.if %cond3A_312 {
        tpu.vector_store_idx %arg12[%get3A_301], %exp3A {add = true} : memref<1040xf32, #tpu.memory_space<vmem>>[vector<16xi32>], vector<16xf32>,
      } else {
      }
      %add3A_313 = arith.addf %scan3A_287, %exp3A : vector<16xf32>
      %broadcast_in_dim3A_314 = arith.constant 0.000000e+00 : f32
      %broadcast_in_dim3A_315 = vector.broadcast %broadcast_in_dim3A_314 : f32 to vector<16xf32>
      %select_n3A_316 = arith.select %ne3A, %broadcast_in_dim3A_315, %exp3A : vector<16xf32>
      %select_n3A_317 = arith.select %and3A, %add3A_313, %select_n3A_316 : vector<16xf32>
      %select_n3A_318 = arith.select %and3A, %scan3A_288, %squeeze3A_305 : i32
      scf.yield %select_n3A_317, %select_n3A_318 : vector<16xf32>, i32
    }
    %scan3A_128 = arith.constant 245 : i32
    %add3A_129 = arith.constant 11760 : i32
    %add3A_130 = arith.addi %mul3A_2, %add3A_129 : i32
    %dma_start3A_131 = arith.constant 11760 : i32
    %dma_start3A_132 = tpu.memref_slice %arg11[%dma_start3A_131] : memref<31360xf32, #tpu.memory_space<vmem>> -> memref<3920xf32, #tpu.memory_space<vmem>>
    %dma_start3A_133 = tpu.memref_slice %arg6[%add3A_130] : memref<1003520xf32, #tpu.memory_space<hbm>> -> memref<3920xf32, #tpu.memory_space<hbm>>
    %dma_start3A_134 = tpu.memref_slice %arg6[%add3A_130] : memref<1003520xf32, #tpu.memory_space<hbm>> -> memref<3920xf32, #tpu.memory_space<hbm>>
    %dma_start3A_135 = arith.constant 11760 : i32
    %dma_start3A_136 = tpu.memref_slice %arg11[%dma_start3A_135] : memref<31360xf32, #tpu.memory_space<vmem>> -> memref<3920xf32, #tpu.memory_space<vmem>>
    tpu.enqueue_dma source(%dma_start3A_136 : memref<3920xf32, #tpu.memory_space<vmem>>) target(%dma_start3A_134 : memref<3920xf32, #tpu.memory_space<hbm>>) target_semaphore(%arg18 : memref<!tpu.dma_semaphore, #tpu.memory_space<semaphore_mem>>)
    %dma_wait3A_137 = arith.constant 15680 : i32
    %dma_wait3A_138 = tpu.memref_slice %arg11[%dma_wait3A_137] : memref<31360xf32, #tpu.memory_space<vmem>> -> memref<3920xf32, #tpu.memory_space<vmem>>
    %dma_wait3A_139 = arith.constant 15680 : i32
    %dma_wait3A_140 = tpu.memref_slice %arg8[%dma_wait3A_139] : memref<31360xi32, #tpu.memory_space<vmem>> -> memref<3920xi32, #tpu.memory_space<vmem>>
    %dma_wait3A_141 = arith.constant 0 : i32
    %dma_wait3A_142 = tpu.memref_slice %arg5[%dma_wait3A_141] : memref<6400000xf32, #tpu.memory_space<hbm>> -> memref<6400000xf32, #tpu.memory_space<hbm>>
    tpu.wait_indirect_dma semaphore(%arg16 : memref<!tpu.dma_semaphore, #tpu.memory_space<semaphore_mem>>) src(%dma_wait3A_142 : memref<6400000xf32, #tpu.memory_space<hbm>>) dst(%dma_wait3A_138 : memref<3920xf32, #tpu.memory_space<vmem>>)
    %dma_start3A_143 = arith.constant 23520 : i32
    %dma_start3A_144 = tpu.memref_slice %arg11[%dma_start3A_143] : memref<31360xf32, #tpu.memory_space<vmem>> -> memref<3920xf32, #tpu.memory_space<vmem>>
    %dma_start3A_145 = arith.constant 23520 : i32
    %dma_start3A_146 = tpu.memref_slice %arg8[%dma_start3A_145] : memref<31360xi32, #tpu.memory_space<vmem>> -> memref<3920xi32, #tpu.memory_space<vmem>>
    %dma_start3A_147 = arith.constant 0 : i32
    %dma_start3A_148 = tpu.memref_slice %arg5[%dma_start3A_147] : memref<6400000xf32, #tpu.memory_space<hbm>> -> memref<6400000xf32, #tpu.memory_space<hbm>>
    tpu.enqueue_indirect_dma source(%dma_start3A_148 : memref<6400000xf32, #tpu.memory_space<hbm>>) target(%dma_start3A_144 : memref<3920xf32, #tpu.memory_space<vmem>>) offsets(%dma_start3A_146 : memref<3920xi32, #tpu.memory_space<vmem>>) semaphore(%arg16 : memref<!tpu.dma_semaphore, #tpu.memory_space<semaphore_mem>>)
    %scan3A_149 = arith.constant 0 : i32
    %scan3A_150 = arith.constant 245 : i32
    %scan3A_151 = arith.addi %scan3A_149, %scan3A_150 : i32
    %scan3A_152 = arith.constant 1 : i32
    %scan3A_153:2 = scf.for %scan3A_286 = %scan3A_149 to %scan3A_151 step %scan3A_152 iter_args(%scan3A_287 = %scan3A_127#0, %scan3A_288 = %scan3A_127#1) -> (vector<16xf32>, i32)  : i32 {
      %mul3A_289 = arith.constant 16 : i32
      %mul3A_290 = arith.muli %scan3A_286, %mul3A_289 : i32
      %add3A_291 = arith.constant 15680 : i32
      %add3A_292 = arith.addi %add3A_291, %mul3A_290 : i32
      %get3A_293 = arith.index_cast %add3A_292 : i32 to index
      %get3A_294 = tpu.vector_load %arg11[%get3A_293] {strides = array<i32>} : memref<31360xf32, #tpu.memory_space<vmem>>, vector<16xf32>,
      %get3A_295 = arith.index_cast %add3A_292 : i32 to index
      %get3A_296 = tpu.vector_load %arg9[%get3A_295] {strides = array<i32>} : memref<31360xf32, #tpu.memory_space<vmem>>, vector<16xf32>,
      %add3A_297 = arith.addf %get3A_294, %get3A_296 : vector<16xf32>
      %exp3A = math.exp %add3A_297 : vector<16xf32>
      %swap3A_298 = arith.index_cast %add3A_292 : i32 to index
      %swap3A_299 = tpu.vector_load %arg11[%swap3A_298] {strides = array<i32>} : memref<31360xf32, #tpu.memory_space<vmem>>, vector<16xf32>,
      tpu.vector_store %arg11[%swap3A_298], %exp3A {strides = array<i32>} : memref<31360xf32, #tpu.memory_space<vmem>>, vector<16xf32>,
      %get3A_300 = arith.index_cast %add3A_292 : i32 to index
      %get3A_301 = tpu.vector_load %arg10[%get3A_300] {strides = array<i32>} : memref<31360xi32, #tpu.memory_space<vmem>>, vector<16xi32>,
      %slice3A_302 = vector.extract_strided_slice %get3A_301 {offsets = [0], sizes = [1], strides = [1]} : vector<16xi32> to vector<1xi32>
      %squeeze3A_303 = vector.extract %slice3A_302[0] : i32 from vector<1xi32>
      %slice3A_304 = vector.extract_strided_slice %get3A_301 {offsets = [15], sizes = [1], strides = [1]} : vector<16xi32> to vector<1xi32>
      %squeeze3A_305 = vector.extract %slice3A_304[0] : i32 from vector<1xi32>
      %eq3A_306 = arith.cmpi eq, %squeeze3A_303, %squeeze3A_305 : i32
      %eq3A_307 = arith.cmpi eq, %squeeze3A_303, %scan3A_288 : i32
      %and3A = arith.andi %eq3A_306, %eq3A_307 : i1
      %ne3A = arith.cmpi ne, %squeeze3A_303, %squeeze3A_305 : i32
      %not3A = arith.constant true
      %not3A_308 = arith.xori %and3A, %not3A : i1
      %convert_element_type3A = arith.extui %not3A_308 : i1 to i32
      %cond3A = arith.constant 0 : i32
      %cond3A_309 = arith.cmpi ne, %convert_element_type3A, %cond3A : i32
      scf.if %cond3A_309 {
        %get3A_319 = arith.index_cast %scan3A_288 : i32 to index
        %get3A_320 = tpu.vector_load %arg12[%get3A_319] {strides = array<i32>} : memref<1040xf32, #tpu.memory_space<vmem>>, vector<16xf32>,
        %reduce_sum3A_321 = arith.constant true
        %reduce_sum3A_322 = vector.broadcast %reduce_sum3A_321 : i1 to vector<16xi1>
        %reduce_sum3A_323 = tpu.scan <sum>, %scan3A_287 masked %reduce_sum3A_322 : vector<16xf32>, vector<16xi1> -> vector<16xf32>
        %reduce_sum3A_324 = vector.extract %reduce_sum3A_323[15] : f32 from vector<16xf32>
        %jit3A_325 = arith.constant 0.000000e+00 : f32
        %broadcast_in_dim3A_326 = vector.broadcast %reduce_sum3A_324 : f32 to vector<16xf32>
        %broadcast_in_dim3A_327 = vector.broadcast %jit3A_325 : f32 to vector<16xf32>
        %select_n3A_328 = arith.select %eq3A_30, %broadcast_in_dim3A_326, %broadcast_in_dim3A_327 : vector<16xi1>, vector<16xf32>
        %add3A_329 = arith.addf %get3A_320, %select_n3A_328 : vector<16xf32>
        %swap3A_330 = arith.index_cast %scan3A_288 : i32 to index
        %swap3A_331 = tpu.vector_load %arg12[%swap3A_330] {strides = array<i32>} : memref<1040xf32, #tpu.memory_space<vmem>>, vector<16xf32>,
        tpu.vector_store %arg12[%swap3A_330], %add3A_329 {strides = array<i32>} : memref<1040xf32, #tpu.memory_space<vmem>>, vector<16xf32>,
      } else {
      }
      %convert_element_type3A_310 = arith.extui %ne3A : i1 to i32
      %cond3A_311 = arith.constant 0 : i32
      %cond3A_312 = arith.cmpi ne, %convert_element_type3A_310, %cond3A_311 : i32
      scf.if %cond3A_312 {
        tpu.vector_store_idx %arg12[%get3A_301], %exp3A {add = true} : memref<1040xf32, #tpu.memory_space<vmem>>[vector<16xi32>], vector<16xf32>,
      } else {
      }
      %add3A_313 = arith.addf %scan3A_287, %exp3A : vector<16xf32>
      %broadcast_in_dim3A_314 = arith.constant 0.000000e+00 : f32
      %broadcast_in_dim3A_315 = vector.broadcast %broadcast_in_dim3A_314 : f32 to vector<16xf32>
      %select_n3A_316 = arith.select %ne3A, %broadcast_in_dim3A_315, %exp3A : vector<16xf32>
      %select_n3A_317 = arith.select %and3A, %add3A_313, %select_n3A_316 : vector<16xf32>
      %select_n3A_318 = arith.select %and3A, %scan3A_288, %squeeze3A_305 : i32
      scf.yield %select_n3A_317, %select_n3A_318 : vector<16xf32>, i32
    }
    %scan3A_154 = arith.constant 245 : i32
    %add3A_155 = arith.constant 15680 : i32
    %add3A_156 = arith.addi %mul3A_2, %add3A_155 : i32
    %dma_start3A_157 = arith.constant 15680 : i32
    %dma_start3A_158 = tpu.memref_slice %arg11[%dma_start3A_157] : memref<31360xf32, #tpu.memory_space<vmem>> -> memref<3920xf32, #tpu.memory_space<vmem>>
    %dma_start3A_159 = tpu.memref_slice %arg6[%add3A_156] : memref<1003520xf32, #tpu.memory_space<hbm>> -> memref<3920xf32, #tpu.memory_space<hbm>>
    %dma_start3A_160 = tpu.memref_slice %arg6[%add3A_156] : memref<1003520xf32, #tpu.memory_space<hbm>> -> memref<3920xf32, #tpu.memory_space<hbm>>
    %dma_start3A_161 = arith.constant 15680 : i32
    %dma_start3A_162 = tpu.memref_slice %arg11[%dma_start3A_161] : memref<31360xf32, #tpu.memory_space<vmem>> -> memref<3920xf32, #tpu.memory_space<vmem>>
    tpu.enqueue_dma source(%dma_start3A_162 : memref<3920xf32, #tpu.memory_space<vmem>>) target(%dma_start3A_160 : memref<3920xf32, #tpu.memory_space<hbm>>) target_semaphore(%arg18 : memref<!tpu.dma_semaphore, #tpu.memory_space<semaphore_mem>>)
    %dma_wait3A_163 = arith.constant 19600 : i32
    %dma_wait3A_164 = tpu.memref_slice %arg11[%dma_wait3A_163] : memref<31360xf32, #tpu.memory_space<vmem>> -> memref<3920xf32, #tpu.memory_space<vmem>>
    %dma_wait3A_165 = arith.constant 19600 : i32
    %dma_wait3A_166 = tpu.memref_slice %arg8[%dma_wait3A_165] : memref<31360xi32, #tpu.memory_space<vmem>> -> memref<3920xi32, #tpu.memory_space<vmem>>
    %dma_wait3A_167 = arith.constant 0 : i32
    %dma_wait3A_168 = tpu.memref_slice %arg5[%dma_wait3A_167] : memref<6400000xf32, #tpu.memory_space<hbm>> -> memref<6400000xf32, #tpu.memory_space<hbm>>
    tpu.wait_indirect_dma semaphore(%arg17 : memref<!tpu.dma_semaphore, #tpu.memory_space<semaphore_mem>>) src(%dma_wait3A_168 : memref<6400000xf32, #tpu.memory_space<hbm>>) dst(%dma_wait3A_164 : memref<3920xf32, #tpu.memory_space<vmem>>)
    %dma_start3A_169 = arith.constant 27440 : i32
    %dma_start3A_170 = tpu.memref_slice %arg11[%dma_start3A_169] : memref<31360xf32, #tpu.memory_space<vmem>> -> memref<3920xf32, #tpu.memory_space<vmem>>
    %dma_start3A_171 = arith.constant 27440 : i32
    %dma_start3A_172 = tpu.memref_slice %arg8[%dma_start3A_171] : memref<31360xi32, #tpu.memory_space<vmem>> -> memref<3920xi32, #tpu.memory_space<vmem>>
    %dma_start3A_173 = arith.constant 0 : i32
    %dma_start3A_174 = tpu.memref_slice %arg5[%dma_start3A_173] : memref<6400000xf32, #tpu.memory_space<hbm>> -> memref<6400000xf32, #tpu.memory_space<hbm>>
    tpu.enqueue_indirect_dma source(%dma_start3A_174 : memref<6400000xf32, #tpu.memory_space<hbm>>) target(%dma_start3A_170 : memref<3920xf32, #tpu.memory_space<vmem>>) offsets(%dma_start3A_172 : memref<3920xi32, #tpu.memory_space<vmem>>) semaphore(%arg17 : memref<!tpu.dma_semaphore, #tpu.memory_space<semaphore_mem>>)
    %scan3A_175 = arith.constant 0 : i32
    %scan3A_176 = arith.constant 245 : i32
    %scan3A_177 = arith.addi %scan3A_175, %scan3A_176 : i32
    %scan3A_178 = arith.constant 1 : i32
    %scan3A_179:2 = scf.for %scan3A_286 = %scan3A_175 to %scan3A_177 step %scan3A_178 iter_args(%scan3A_287 = %scan3A_153#0, %scan3A_288 = %scan3A_153#1) -> (vector<16xf32>, i32)  : i32 {
      %mul3A_289 = arith.constant 16 : i32
      %mul3A_290 = arith.muli %scan3A_286, %mul3A_289 : i32
      %add3A_291 = arith.constant 19600 : i32
      %add3A_292 = arith.addi %add3A_291, %mul3A_290 : i32
      %get3A_293 = arith.index_cast %add3A_292 : i32 to index
      %get3A_294 = tpu.vector_load %arg11[%get3A_293] {strides = array<i32>} : memref<31360xf32, #tpu.memory_space<vmem>>, vector<16xf32>,
      %get3A_295 = arith.index_cast %add3A_292 : i32 to index
      %get3A_296 = tpu.vector_load %arg9[%get3A_295] {strides = array<i32>} : memref<31360xf32, #tpu.memory_space<vmem>>, vector<16xf32>,
      %add3A_297 = arith.addf %get3A_294, %get3A_296 : vector<16xf32>
      %exp3A = math.exp %add3A_297 : vector<16xf32>
      %swap3A_298 = arith.index_cast %add3A_292 : i32 to index
      %swap3A_299 = tpu.vector_load %arg11[%swap3A_298] {strides = array<i32>} : memref<31360xf32, #tpu.memory_space<vmem>>, vector<16xf32>,
      tpu.vector_store %arg11[%swap3A_298], %exp3A {strides = array<i32>} : memref<31360xf32, #tpu.memory_space<vmem>>, vector<16xf32>,
      %get3A_300 = arith.index_cast %add3A_292 : i32 to index
      %get3A_301 = tpu.vector_load %arg10[%get3A_300] {strides = array<i32>} : memref<31360xi32, #tpu.memory_space<vmem>>, vector<16xi32>,
      %slice3A_302 = vector.extract_strided_slice %get3A_301 {offsets = [0], sizes = [1], strides = [1]} : vector<16xi32> to vector<1xi32>
      %squeeze3A_303 = vector.extract %slice3A_302[0] : i32 from vector<1xi32>
      %slice3A_304 = vector.extract_strided_slice %get3A_301 {offsets = [15], sizes = [1], strides = [1]} : vector<16xi32> to vector<1xi32>
      %squeeze3A_305 = vector.extract %slice3A_304[0] : i32 from vector<1xi32>
      %eq3A_306 = arith.cmpi eq, %squeeze3A_303, %squeeze3A_305 : i32
      %eq3A_307 = arith.cmpi eq, %squeeze3A_303, %scan3A_288 : i32
      %and3A = arith.andi %eq3A_306, %eq3A_307 : i1
      %ne3A = arith.cmpi ne, %squeeze3A_303, %squeeze3A_305 : i32
      %not3A = arith.constant true
      %not3A_308 = arith.xori %and3A, %not3A : i1
      %convert_element_type3A = arith.extui %not3A_308 : i1 to i32
      %cond3A = arith.constant 0 : i32
      %cond3A_309 = arith.cmpi ne, %convert_element_type3A, %cond3A : i32
      scf.if %cond3A_309 {
        %get3A_319 = arith.index_cast %scan3A_288 : i32 to index
        %get3A_320 = tpu.vector_load %arg12[%get3A_319] {strides = array<i32>} : memref<1040xf32, #tpu.memory_space<vmem>>, vector<16xf32>,
        %reduce_sum3A_321 = arith.constant true
        %reduce_sum3A_322 = vector.broadcast %reduce_sum3A_321 : i1 to vector<16xi1>
        %reduce_sum3A_323 = tpu.scan <sum>, %scan3A_287 masked %reduce_sum3A_322 : vector<16xf32>, vector<16xi1> -> vector<16xf32>
        %reduce_sum3A_324 = vector.extract %reduce_sum3A_323[15] : f32 from vector<16xf32>
        %jit3A_325 = arith.constant 0.000000e+00 : f32
        %broadcast_in_dim3A_326 = vector.broadcast %reduce_sum3A_324 : f32 to vector<16xf32>
        %broadcast_in_dim3A_327 = vector.broadcast %jit3A_325 : f32 to vector<16xf32>
        %select_n3A_328 = arith.select %eq3A_30, %broadcast_in_dim3A_326, %broadcast_in_dim3A_327 : vector<16xi1>, vector<16xf32>
        %add3A_329 = arith.addf %get3A_320, %select_n3A_328 : vector<16xf32>
        %swap3A_330 = arith.index_cast %scan3A_288 : i32 to index
        %swap3A_331 = tpu.vector_load %arg12[%swap3A_330] {strides = array<i32>} : memref<1040xf32, #tpu.memory_space<vmem>>, vector<16xf32>,
        tpu.vector_store %arg12[%swap3A_330], %add3A_329 {strides = array<i32>} : memref<1040xf32, #tpu.memory_space<vmem>>, vector<16xf32>,
      } else {
      }
      %convert_element_type3A_310 = arith.extui %ne3A : i1 to i32
      %cond3A_311 = arith.constant 0 : i32
      %cond3A_312 = arith.cmpi ne, %convert_element_type3A_310, %cond3A_311 : i32
      scf.if %cond3A_312 {
        tpu.vector_store_idx %arg12[%get3A_301], %exp3A {add = true} : memref<1040xf32, #tpu.memory_space<vmem>>[vector<16xi32>], vector<16xf32>,
      } else {
      }
      %add3A_313 = arith.addf %scan3A_287, %exp3A : vector<16xf32>
      %broadcast_in_dim3A_314 = arith.constant 0.000000e+00 : f32
      %broadcast_in_dim3A_315 = vector.broadcast %broadcast_in_dim3A_314 : f32 to vector<16xf32>
      %select_n3A_316 = arith.select %ne3A, %broadcast_in_dim3A_315, %exp3A : vector<16xf32>
      %select_n3A_317 = arith.select %and3A, %add3A_313, %select_n3A_316 : vector<16xf32>
      %select_n3A_318 = arith.select %and3A, %scan3A_288, %squeeze3A_305 : i32
      scf.yield %select_n3A_317, %select_n3A_318 : vector<16xf32>, i32
    }
    %scan3A_180 = arith.constant 245 : i32
    %add3A_181 = arith.constant 19600 : i32
    %add3A_182 = arith.addi %mul3A_2, %add3A_181 : i32
    %dma_start3A_183 = arith.constant 19600 : i32
    %dma_start3A_184 = tpu.memref_slice %arg11[%dma_start3A_183] : memref<31360xf32, #tpu.memory_space<vmem>> -> memref<3920xf32, #tpu.memory_space<vmem>>
    %dma_start3A_185 = tpu.memref_slice %arg6[%add3A_182] : memref<1003520xf32, #tpu.memory_space<hbm>> -> memref<3920xf32, #tpu.memory_space<hbm>>
    %dma_start3A_186 = tpu.memref_slice %arg6[%add3A_182] : memref<1003520xf32, #tpu.memory_space<hbm>> -> memref<3920xf32, #tpu.memory_space<hbm>>
    %dma_start3A_187 = arith.constant 19600 : i32
    %dma_start3A_188 = tpu.memref_slice %arg11[%dma_start3A_187] : memref<31360xf32, #tpu.memory_space<vmem>> -> memref<3920xf32, #tpu.memory_space<vmem>>
    tpu.enqueue_dma source(%dma_start3A_188 : memref<3920xf32, #tpu.memory_space<vmem>>) target(%dma_start3A_186 : memref<3920xf32, #tpu.memory_space<hbm>>) target_semaphore(%arg18 : memref<!tpu.dma_semaphore, #tpu.memory_space<semaphore_mem>>)
    %dma_wait3A_189 = arith.constant 23520 : i32
    %dma_wait3A_190 = tpu.memref_slice %arg11[%dma_wait3A_189] : memref<31360xf32, #tpu.memory_space<vmem>> -> memref<3920xf32, #tpu.memory_space<vmem>>
    %dma_wait3A_191 = arith.constant 23520 : i32
    %dma_wait3A_192 = tpu.memref_slice %arg8[%dma_wait3A_191] : memref<31360xi32, #tpu.memory_space<vmem>> -> memref<3920xi32, #tpu.memory_space<vmem>>
    %dma_wait3A_193 = arith.constant 0 : i32
    %dma_wait3A_194 = tpu.memref_slice %arg5[%dma_wait3A_193] : memref<6400000xf32, #tpu.memory_space<hbm>> -> memref<6400000xf32, #tpu.memory_space<hbm>>
    tpu.wait_indirect_dma semaphore(%arg16 : memref<!tpu.dma_semaphore, #tpu.memory_space<semaphore_mem>>) src(%dma_wait3A_194 : memref<6400000xf32, #tpu.memory_space<hbm>>) dst(%dma_wait3A_190 : memref<3920xf32, #tpu.memory_space<vmem>>)
    %scan3A_195 = arith.constant 0 : i32
    %scan3A_196 = arith.constant 245 : i32
    %scan3A_197 = arith.addi %scan3A_195, %scan3A_196 : i32
    %scan3A_198 = arith.constant 1 : i32
    %scan3A_199:2 = scf.for %scan3A_286 = %scan3A_195 to %scan3A_197 step %scan3A_198 iter_args(%scan3A_287 = %scan3A_179#0, %scan3A_288 = %scan3A_179#1) -> (vector<16xf32>, i32)  : i32 {
      %mul3A_289 = arith.constant 16 : i32
      %mul3A_290 = arith.muli %scan3A_286, %mul3A_289 : i32
      %add3A_291 = arith.constant 23520 : i32
      %add3A_292 = arith.addi %add3A_291, %mul3A_290 : i32
      %get3A_293 = arith.index_cast %add3A_292 : i32 to index
      %get3A_294 = tpu.vector_load %arg11[%get3A_293] {strides = array<i32>} : memref<31360xf32, #tpu.memory_space<vmem>>, vector<16xf32>,
      %get3A_295 = arith.index_cast %add3A_292 : i32 to index
      %get3A_296 = tpu.vector_load %arg9[%get3A_295] {strides = array<i32>} : memref<31360xf32, #tpu.memory_space<vmem>>, vector<16xf32>,
      %add3A_297 = arith.addf %get3A_294, %get3A_296 : vector<16xf32>
      %exp3A = math.exp %add3A_297 : vector<16xf32>
      %swap3A_298 = arith.index_cast %add3A_292 : i32 to index
      %swap3A_299 = tpu.vector_load %arg11[%swap3A_298] {strides = array<i32>} : memref<31360xf32, #tpu.memory_space<vmem>>, vector<16xf32>,
      tpu.vector_store %arg11[%swap3A_298], %exp3A {strides = array<i32>} : memref<31360xf32, #tpu.memory_space<vmem>>, vector<16xf32>,
      %get3A_300 = arith.index_cast %add3A_292 : i32 to index
      %get3A_301 = tpu.vector_load %arg10[%get3A_300] {strides = array<i32>} : memref<31360xi32, #tpu.memory_space<vmem>>, vector<16xi32>,
      %slice3A_302 = vector.extract_strided_slice %get3A_301 {offsets = [0], sizes = [1], strides = [1]} : vector<16xi32> to vector<1xi32>
      %squeeze3A_303 = vector.extract %slice3A_302[0] : i32 from vector<1xi32>
      %slice3A_304 = vector.extract_strided_slice %get3A_301 {offsets = [15], sizes = [1], strides = [1]} : vector<16xi32> to vector<1xi32>
      %squeeze3A_305 = vector.extract %slice3A_304[0] : i32 from vector<1xi32>
      %eq3A_306 = arith.cmpi eq, %squeeze3A_303, %squeeze3A_305 : i32
      %eq3A_307 = arith.cmpi eq, %squeeze3A_303, %scan3A_288 : i32
      %and3A = arith.andi %eq3A_306, %eq3A_307 : i1
      %ne3A = arith.cmpi ne, %squeeze3A_303, %squeeze3A_305 : i32
      %not3A = arith.constant true
      %not3A_308 = arith.xori %and3A, %not3A : i1
      %convert_element_type3A = arith.extui %not3A_308 : i1 to i32
      %cond3A = arith.constant 0 : i32
      %cond3A_309 = arith.cmpi ne, %convert_element_type3A, %cond3A : i32
      scf.if %cond3A_309 {
        %get3A_319 = arith.index_cast %scan3A_288 : i32 to index
        %get3A_320 = tpu.vector_load %arg12[%get3A_319] {strides = array<i32>} : memref<1040xf32, #tpu.memory_space<vmem>>, vector<16xf32>,
        %reduce_sum3A_321 = arith.constant true
        %reduce_sum3A_322 = vector.broadcast %reduce_sum3A_321 : i1 to vector<16xi1>
        %reduce_sum3A_323 = tpu.scan <sum>, %scan3A_287 masked %reduce_sum3A_322 : vector<16xf32>, vector<16xi1> -> vector<16xf32>
        %reduce_sum3A_324 = vector.extract %reduce_sum3A_323[15] : f32 from vector<16xf32>
        %jit3A_325 = arith.constant 0.000000e+00 : f32
        %broadcast_in_dim3A_326 = vector.broadcast %reduce_sum3A_324 : f32 to vector<16xf32>
        %broadcast_in_dim3A_327 = vector.broadcast %jit3A_325 : f32 to vector<16xf32>
        %select_n3A_328 = arith.select %eq3A_30, %broadcast_in_dim3A_326, %broadcast_in_dim3A_327 : vector<16xi1>, vector<16xf32>
        %add3A_329 = arith.addf %get3A_320, %select_n3A_328 : vector<16xf32>
        %swap3A_330 = arith.index_cast %scan3A_288 : i32 to index
        %swap3A_331 = tpu.vector_load %arg12[%swap3A_330] {strides = array<i32>} : memref<1040xf32, #tpu.memory_space<vmem>>, vector<16xf32>,
        tpu.vector_store %arg12[%swap3A_330], %add3A_329 {strides = array<i32>} : memref<1040xf32, #tpu.memory_space<vmem>>, vector<16xf32>,
      } else {
      }
      %convert_element_type3A_310 = arith.extui %ne3A : i1 to i32
      %cond3A_311 = arith.constant 0 : i32
      %cond3A_312 = arith.cmpi ne, %convert_element_type3A_310, %cond3A_311 : i32
      scf.if %cond3A_312 {
        tpu.vector_store_idx %arg12[%get3A_301], %exp3A {add = true} : memref<1040xf32, #tpu.memory_space<vmem>>[vector<16xi32>], vector<16xf32>,
      } else {
      }
      %add3A_313 = arith.addf %scan3A_287, %exp3A : vector<16xf32>
      %broadcast_in_dim3A_314 = arith.constant 0.000000e+00 : f32
      %broadcast_in_dim3A_315 = vector.broadcast %broadcast_in_dim3A_314 : f32 to vector<16xf32>
      %select_n3A_316 = arith.select %ne3A, %broadcast_in_dim3A_315, %exp3A : vector<16xf32>
      %select_n3A_317 = arith.select %and3A, %add3A_313, %select_n3A_316 : vector<16xf32>
      %select_n3A_318 = arith.select %and3A, %scan3A_288, %squeeze3A_305 : i32
      scf.yield %select_n3A_317, %select_n3A_318 : vector<16xf32>, i32
    }
    %scan3A_200 = arith.constant 245 : i32
    %add3A_201 = arith.constant 23520 : i32
    %add3A_202 = arith.addi %mul3A_2, %add3A_201 : i32
    %dma_start3A_203 = arith.constant 23520 : i32
    %dma_start3A_204 = tpu.memref_slice %arg11[%dma_start3A_203] : memref<31360xf32, #tpu.memory_space<vmem>> -> memref<3920xf32, #tpu.memory_space<vmem>>
    %dma_start3A_205 = tpu.memref_slice %arg6[%add3A_202] : memref<1003520xf32, #tpu.memory_space<hbm>> -> memref<3920xf32, #tpu.memory_space<hbm>>
    %dma_start3A_206 = tpu.memref_slice %arg6[%add3A_202] : memref<1003520xf32, #tpu.memory_space<hbm>> -> memref<3920xf32, #tpu.memory_space<hbm>>
    %dma_start3A_207 = arith.constant 23520 : i32
    %dma_start3A_208 = tpu.memref_slice %arg11[%dma_start3A_207] : memref<31360xf32, #tpu.memory_space<vmem>> -> memref<3920xf32, #tpu.memory_space<vmem>>
    tpu.enqueue_dma source(%dma_start3A_208 : memref<3920xf32, #tpu.memory_space<vmem>>) target(%dma_start3A_206 : memref<3920xf32, #tpu.memory_space<hbm>>) target_semaphore(%arg18 : memref<!tpu.dma_semaphore, #tpu.memory_space<semaphore_mem>>)
    %dma_wait3A_209 = arith.constant 27440 : i32
    %dma_wait3A_210 = tpu.memref_slice %arg11[%dma_wait3A_209] : memref<31360xf32, #tpu.memory_space<vmem>> -> memref<3920xf32, #tpu.memory_space<vmem>>
    %dma_wait3A_211 = arith.constant 27440 : i32
    %dma_wait3A_212 = tpu.memref_slice %arg8[%dma_wait3A_211] : memref<31360xi32, #tpu.memory_space<vmem>> -> memref<3920xi32, #tpu.memory_space<vmem>>
    %dma_wait3A_213 = arith.constant 0 : i32
    %dma_wait3A_214 = tpu.memref_slice %arg5[%dma_wait3A_213] : memref<6400000xf32, #tpu.memory_space<hbm>> -> memref<6400000xf32, #tpu.memory_space<hbm>>
    tpu.wait_indirect_dma semaphore(%arg17 : memref<!tpu.dma_semaphore, #tpu.memory_space<semaphore_mem>>) src(%dma_wait3A_214 : memref<6400000xf32, #tpu.memory_space<hbm>>) dst(%dma_wait3A_210 : memref<3920xf32, #tpu.memory_space<vmem>>)
    %scan3A_215 = arith.constant 0 : i32
    %scan3A_216 = arith.constant 245 : i32
    %scan3A_217 = arith.addi %scan3A_215, %scan3A_216 : i32
    %scan3A_218 = arith.constant 1 : i32
    %scan3A_219:2 = scf.for %scan3A_286 = %scan3A_215 to %scan3A_217 step %scan3A_218 iter_args(%scan3A_287 = %scan3A_199#0, %scan3A_288 = %scan3A_199#1) -> (vector<16xf32>, i32)  : i32 {
      %mul3A_289 = arith.constant 16 : i32
      %mul3A_290 = arith.muli %scan3A_286, %mul3A_289 : i32
      %add3A_291 = arith.constant 27440 : i32
      %add3A_292 = arith.addi %add3A_291, %mul3A_290 : i32
      %get3A_293 = arith.index_cast %add3A_292 : i32 to index
      %get3A_294 = tpu.vector_load %arg11[%get3A_293] {strides = array<i32>} : memref<31360xf32, #tpu.memory_space<vmem>>, vector<16xf32>,
      %get3A_295 = arith.index_cast %add3A_292 : i32 to index
      %get3A_296 = tpu.vector_load %arg9[%get3A_295] {strides = array<i32>} : memref<31360xf32, #tpu.memory_space<vmem>>, vector<16xf32>,
      %add3A_297 = arith.addf %get3A_294, %get3A_296 : vector<16xf32>
      %exp3A = math.exp %add3A_297 : vector<16xf32>
      %swap3A_298 = arith.index_cast %add3A_292 : i32 to index
      %swap3A_299 = tpu.vector_load %arg11[%swap3A_298] {strides = array<i32>} : memref<31360xf32, #tpu.memory_space<vmem>>, vector<16xf32>,
      tpu.vector_store %arg11[%swap3A_298], %exp3A {strides = array<i32>} : memref<31360xf32, #tpu.memory_space<vmem>>, vector<16xf32>,
      %get3A_300 = arith.index_cast %add3A_292 : i32 to index
      %get3A_301 = tpu.vector_load %arg10[%get3A_300] {strides = array<i32>} : memref<31360xi32, #tpu.memory_space<vmem>>, vector<16xi32>,
      %slice3A_302 = vector.extract_strided_slice %get3A_301 {offsets = [0], sizes = [1], strides = [1]} : vector<16xi32> to vector<1xi32>
      %squeeze3A_303 = vector.extract %slice3A_302[0] : i32 from vector<1xi32>
      %slice3A_304 = vector.extract_strided_slice %get3A_301 {offsets = [15], sizes = [1], strides = [1]} : vector<16xi32> to vector<1xi32>
      %squeeze3A_305 = vector.extract %slice3A_304[0] : i32 from vector<1xi32>
      %eq3A_306 = arith.cmpi eq, %squeeze3A_303, %squeeze3A_305 : i32
      %eq3A_307 = arith.cmpi eq, %squeeze3A_303, %scan3A_288 : i32
      %and3A = arith.andi %eq3A_306, %eq3A_307 : i1
      %ne3A = arith.cmpi ne, %squeeze3A_303, %squeeze3A_305 : i32
      %not3A = arith.constant true
      %not3A_308 = arith.xori %and3A, %not3A : i1
      %convert_element_type3A = arith.extui %not3A_308 : i1 to i32
      %cond3A = arith.constant 0 : i32
      %cond3A_309 = arith.cmpi ne, %convert_element_type3A, %cond3A : i32
      scf.if %cond3A_309 {
        %get3A_319 = arith.index_cast %scan3A_288 : i32 to index
        %get3A_320 = tpu.vector_load %arg12[%get3A_319] {strides = array<i32>} : memref<1040xf32, #tpu.memory_space<vmem>>, vector<16xf32>,
        %reduce_sum3A_321 = arith.constant true
        %reduce_sum3A_322 = vector.broadcast %reduce_sum3A_321 : i1 to vector<16xi1>
        %reduce_sum3A_323 = tpu.scan <sum>, %scan3A_287 masked %reduce_sum3A_322 : vector<16xf32>, vector<16xi1> -> vector<16xf32>
        %reduce_sum3A_324 = vector.extract %reduce_sum3A_323[15] : f32 from vector<16xf32>
        %jit3A_325 = arith.constant 0.000000e+00 : f32
        %broadcast_in_dim3A_326 = vector.broadcast %reduce_sum3A_324 : f32 to vector<16xf32>
        %broadcast_in_dim3A_327 = vector.broadcast %jit3A_325 : f32 to vector<16xf32>
        %select_n3A_328 = arith.select %eq3A_30, %broadcast_in_dim3A_326, %broadcast_in_dim3A_327 : vector<16xi1>, vector<16xf32>
        %add3A_329 = arith.addf %get3A_320, %select_n3A_328 : vector<16xf32>
        %swap3A_330 = arith.index_cast %scan3A_288 : i32 to index
        %swap3A_331 = tpu.vector_load %arg12[%swap3A_330] {strides = array<i32>} : memref<1040xf32, #tpu.memory_space<vmem>>, vector<16xf32>,
        tpu.vector_store %arg12[%swap3A_330], %add3A_329 {strides = array<i32>} : memref<1040xf32, #tpu.memory_space<vmem>>, vector<16xf32>,
      } else {
      }
      %convert_element_type3A_310 = arith.extui %ne3A : i1 to i32
      %cond3A_311 = arith.constant 0 : i32
      %cond3A_312 = arith.cmpi ne, %convert_element_type3A_310, %cond3A_311 : i32
      scf.if %cond3A_312 {
        tpu.vector_store_idx %arg12[%get3A_301], %exp3A {add = true} : memref<1040xf32, #tpu.memory_space<vmem>>[vector<16xi32>], vector<16xf32>,
      } else {
      }
      %add3A_313 = arith.addf %scan3A_287, %exp3A : vector<16xf32>
      %broadcast_in_dim3A_314 = arith.constant 0.000000e+00 : f32
      %broadcast_in_dim3A_315 = vector.broadcast %broadcast_in_dim3A_314 : f32 to vector<16xf32>
      %select_n3A_316 = arith.select %ne3A, %broadcast_in_dim3A_315, %exp3A : vector<16xf32>
      %select_n3A_317 = arith.select %and3A, %add3A_313, %select_n3A_316 : vector<16xf32>
      %select_n3A_318 = arith.select %and3A, %scan3A_288, %squeeze3A_305 : i32
      scf.yield %select_n3A_317, %select_n3A_318 : vector<16xf32>, i32
    }
    %scan3A_220 = arith.constant 245 : i32
    %add3A_221 = arith.constant 27440 : i32
    %add3A_222 = arith.addi %mul3A_2, %add3A_221 : i32
    %dma_start3A_223 = arith.constant 27440 : i32
    %dma_start3A_224 = tpu.memref_slice %arg11[%dma_start3A_223] : memref<31360xf32, #tpu.memory_space<vmem>> -> memref<3920xf32, #tpu.memory_space<vmem>>
    %dma_start3A_225 = tpu.memref_slice %arg6[%add3A_222] : memref<1003520xf32, #tpu.memory_space<hbm>> -> memref<3920xf32, #tpu.memory_space<hbm>>
    %dma_start3A_226 = tpu.memref_slice %arg6[%add3A_222] : memref<1003520xf32, #tpu.memory_space<hbm>> -> memref<3920xf32, #tpu.memory_space<hbm>>
    %dma_start3A_227 = arith.constant 27440 : i32
    %dma_start3A_228 = tpu.memref_slice %arg11[%dma_start3A_227] : memref<31360xf32, #tpu.memory_space<vmem>> -> memref<3920xf32, #tpu.memory_space<vmem>>
    tpu.enqueue_dma source(%dma_start3A_228 : memref<3920xf32, #tpu.memory_space<vmem>>) target(%dma_start3A_226 : memref<3920xf32, #tpu.memory_space<hbm>>) target_semaphore(%arg18 : memref<!tpu.dma_semaphore, #tpu.memory_space<semaphore_mem>>)
    %get3A_229 = arith.index_cast %scan3A_219#1 : i32 to index
    %get3A_230 = tpu.vector_load %arg12[%get3A_229] {strides = array<i32>} : memref<1040xf32, #tpu.memory_space<vmem>>, vector<16xf32>,
    %reduce_sum3A = arith.constant true
    %reduce_sum3A_231 = vector.broadcast %reduce_sum3A : i1 to vector<16xi1>
    %reduce_sum3A_232 = tpu.scan <sum>, %scan3A_219#0 masked %reduce_sum3A_231 : vector<16xf32>, vector<16xi1> -> vector<16xf32>
    %reduce_sum3A_233 = vector.extract %reduce_sum3A_232[15] : f32 from vector<16xf32>
    %jit3A = arith.constant 0.000000e+00 : f32
    %broadcast_in_dim3A_234 = vector.broadcast %reduce_sum3A_233 : f32 to vector<16xf32>
    %broadcast_in_dim3A_235 = vector.broadcast %jit3A : f32 to vector<16xf32>
    %select_n3A = arith.select %eq3A_30, %broadcast_in_dim3A_234, %broadcast_in_dim3A_235 : vector<16xi1>, vector<16xf32>
    %add3A_236 = arith.addf %get3A_230, %select_n3A : vector<16xf32>
    %swap3A = arith.index_cast %scan3A_219#1 : i32 to index
    %swap3A_237 = tpu.vector_load %arg12[%swap3A] {strides = array<i32>} : memref<1040xf32, #tpu.memory_space<vmem>>, vector<16xf32>,
    tpu.vector_store %arg12[%swap3A], %add3A_236 {strides = array<i32>} : memref<1040xf32, #tpu.memory_space<vmem>>, vector<16xf32>,
    "tpu.region"() ({
      %run_scoped3A = tpu.sem_alloc : memref<!tpu.dma_semaphore, #tpu.memory_space<semaphore_mem>>
      %dma_start3A_286 = arith.constant 0 : i32
      %dma_start3A_287 = tpu.memref_slice %arg7[%add3A, %dma_start3A_286] : memref<32x1040xf32, #tpu.memory_space<hbm>> -> memref<1x1040xf32, #tpu.memory_space<hbm>>
      %dma_start3A_288 = tpu.memref_squeeze %dma_start3A_287 : memref<1x1040xf32, #tpu.memory_space<hbm>> -> memref<1040xf32, #tpu.memory_space<hbm>>
      %dma_start3A_289 = arith.constant 0 : i32
      %dma_start3A_290 = tpu.memref_slice %arg7[%add3A, %dma_start3A_289] : memref<32x1040xf32, #tpu.memory_space<hbm>> -> memref<1x1040xf32, #tpu.memory_space<hbm>>
      %dma_start3A_291 = tpu.memref_squeeze %dma_start3A_290 : memref<1x1040xf32, #tpu.memory_space<hbm>> -> memref<1040xf32, #tpu.memory_space<hbm>>
      tpu.enqueue_dma source(%arg12 : memref<1040xf32, #tpu.memory_space<vmem>>) target(%dma_start3A_291 : memref<1040xf32, #tpu.memory_space<hbm>>) target_semaphore(%run_scoped3A : memref<!tpu.dma_semaphore, #tpu.memory_space<semaphore_mem>>)
      %dma_wait3A_292 = arith.constant 0 : i32
      %dma_wait3A_293 = tpu.memref_slice %arg7[%add3A, %dma_wait3A_292] : memref<32x1040xf32, #tpu.memory_space<hbm>> -> memref<1x1040xf32, #tpu.memory_space<hbm>>
      %dma_wait3A_294 = tpu.memref_squeeze %dma_wait3A_293 : memref<1x1040xf32, #tpu.memory_space<hbm>> -> memref<1040xf32, #tpu.memory_space<hbm>>
      %dma_wait3A_295 = arith.constant 0 : i32
      %dma_wait3A_296 = tpu.memref_slice %arg7[%add3A, %dma_wait3A_295] : memref<32x1040xf32, #tpu.memory_space<hbm>> -> memref<1x1040xf32, #tpu.memory_space<hbm>>
      %dma_wait3A_297 = tpu.memref_squeeze %dma_wait3A_296 : memref<1x1040xf32, #tpu.memory_space<hbm>> -> memref<1040xf32, #tpu.memory_space<hbm>>
      tpu.wait_dma2 semaphore(%run_scoped3A : memref<!tpu.dma_semaphore, #tpu.memory_space<semaphore_mem>>) src(%arg12 : memref<1040xf32, #tpu.memory_space<vmem>>) dst(%dma_wait3A_297 : memref<1040xf32, #tpu.memory_space<hbm>>)
      tpu.yield
    }) : () -> ()
    %dma_wait3A_238 = arith.constant 0 : i32
    %dma_wait3A_239 = tpu.memref_slice %arg11[%dma_wait3A_238] : memref<31360xf32, #tpu.memory_space<vmem>> -> memref<3920xf32, #tpu.memory_space<vmem>>
    %dma_wait3A_240 = tpu.memref_slice %arg6[%add3A_52] : memref<1003520xf32, #tpu.memory_space<hbm>> -> memref<3920xf32, #tpu.memory_space<hbm>>
    %dma_wait3A_241 = tpu.memref_slice %arg6[%add3A_52] : memref<1003520xf32, #tpu.memory_space<hbm>> -> memref<3920xf32, #tpu.memory_space<hbm>>
    %dma_wait3A_242 = arith.constant 0 : i32
    %dma_wait3A_243 = tpu.memref_slice %arg11[%dma_wait3A_242] : memref<31360xf32, #tpu.memory_space<vmem>> -> memref<3920xf32, #tpu.memory_space<vmem>>
    tpu.wait_dma2 semaphore(%arg18 : memref<!tpu.dma_semaphore, #tpu.memory_space<semaphore_mem>>) src(%dma_wait3A_243 : memref<3920xf32, #tpu.memory_space<vmem>>) dst(%dma_wait3A_241 : memref<3920xf32, #tpu.memory_space<hbm>>)
    %dma_wait3A_244 = arith.constant 3920 : i32
    %dma_wait3A_245 = tpu.memref_slice %arg11[%dma_wait3A_244] : memref<31360xf32, #tpu.memory_space<vmem>> -> memref<3920xf32, #tpu.memory_space<vmem>>
    %dma_wait3A_246 = tpu.memref_slice %arg6[%add3A_78] : memref<1003520xf32, #tpu.memory_space<hbm>> -> memref<3920xf32, #tpu.memory_space<hbm>>
    %dma_wait3A_247 = tpu.memref_slice %arg6[%add3A_78] : memref<1003520xf32, #tpu.memory_space<hbm>> -> memref<3920xf32, #tpu.memory_space<hbm>>
    %dma_wait3A_248 = arith.constant 3920 : i32
    %dma_wait3A_249 = tpu.memref_slice %arg11[%dma_wait3A_248] : memref<31360xf32, #tpu.memory_space<vmem>> -> memref<3920xf32, #tpu.memory_space<vmem>>
    tpu.wait_dma2 semaphore(%arg18 : memref<!tpu.dma_semaphore, #tpu.memory_space<semaphore_mem>>) src(%dma_wait3A_249 : memref<3920xf32, #tpu.memory_space<vmem>>) dst(%dma_wait3A_247 : memref<3920xf32, #tpu.memory_space<hbm>>)
    %dma_wait3A_250 = arith.constant 7840 : i32
    %dma_wait3A_251 = tpu.memref_slice %arg11[%dma_wait3A_250] : memref<31360xf32, #tpu.memory_space<vmem>> -> memref<3920xf32, #tpu.memory_space<vmem>>
    %dma_wait3A_252 = tpu.memref_slice %arg6[%add3A_104] : memref<1003520xf32, #tpu.memory_space<hbm>> -> memref<3920xf32, #tpu.memory_space<hbm>>
    %dma_wait3A_253 = tpu.memref_slice %arg6[%add3A_104] : memref<1003520xf32, #tpu.memory_space<hbm>> -> memref<3920xf32, #tpu.memory_space<hbm>>
    %dma_wait3A_254 = arith.constant 7840 : i32
    %dma_wait3A_255 = tpu.memref_slice %arg11[%dma_wait3A_254] : memref<31360xf32, #tpu.memory_space<vmem>> -> memref<3920xf32, #tpu.memory_space<vmem>>
    tpu.wait_dma2 semaphore(%arg18 : memref<!tpu.dma_semaphore, #tpu.memory_space<semaphore_mem>>) src(%dma_wait3A_255 : memref<3920xf32, #tpu.memory_space<vmem>>) dst(%dma_wait3A_253 : memref<3920xf32, #tpu.memory_space<hbm>>)
    %dma_wait3A_256 = arith.constant 11760 : i32
    %dma_wait3A_257 = tpu.memref_slice %arg11[%dma_wait3A_256] : memref<31360xf32, #tpu.memory_space<vmem>> -> memref<3920xf32, #tpu.memory_space<vmem>>
    %dma_wait3A_258 = tpu.memref_slice %arg6[%add3A_130] : memref<1003520xf32, #tpu.memory_space<hbm>> -> memref<3920xf32, #tpu.memory_space<hbm>>
    %dma_wait3A_259 = tpu.memref_slice %arg6[%add3A_130] : memref<1003520xf32, #tpu.memory_space<hbm>> -> memref<3920xf32, #tpu.memory_space<hbm>>
    %dma_wait3A_260 = arith.constant 11760 : i32
    %dma_wait3A_261 = tpu.memref_slice %arg11[%dma_wait3A_260] : memref<31360xf32, #tpu.memory_space<vmem>> -> memref<3920xf32, #tpu.memory_space<vmem>>
    tpu.wait_dma2 semaphore(%arg18 : memref<!tpu.dma_semaphore, #tpu.memory_space<semaphore_mem>>) src(%dma_wait3A_261 : memref<3920xf32, #tpu.memory_space<vmem>>) dst(%dma_wait3A_259 : memref<3920xf32, #tpu.memory_space<hbm>>)
    %dma_wait3A_262 = arith.constant 15680 : i32
    %dma_wait3A_263 = tpu.memref_slice %arg11[%dma_wait3A_262] : memref<31360xf32, #tpu.memory_space<vmem>> -> memref<3920xf32, #tpu.memory_space<vmem>>
    %dma_wait3A_264 = tpu.memref_slice %arg6[%add3A_156] : memref<1003520xf32, #tpu.memory_space<hbm>> -> memref<3920xf32, #tpu.memory_space<hbm>>
    %dma_wait3A_265 = tpu.memref_slice %arg6[%add3A_156] : memref<1003520xf32, #tpu.memory_space<hbm>> -> memref<3920xf32, #tpu.memory_space<hbm>>
    %dma_wait3A_266 = arith.constant 15680 : i32
    %dma_wait3A_267 = tpu.memref_slice %arg11[%dma_wait3A_266] : memref<31360xf32, #tpu.memory_space<vmem>> -> memref<3920xf32, #tpu.memory_space<vmem>>
    tpu.wait_dma2 semaphore(%arg18 : memref<!tpu.dma_semaphore, #tpu.memory_space<semaphore_mem>>) src(%dma_wait3A_267 : memref<3920xf32, #tpu.memory_space<vmem>>) dst(%dma_wait3A_265 : memref<3920xf32, #tpu.memory_space<hbm>>)
    %dma_wait3A_268 = arith.constant 19600 : i32
    %dma_wait3A_269 = tpu.memref_slice %arg11[%dma_wait3A_268] : memref<31360xf32, #tpu.memory_space<vmem>> -> memref<3920xf32, #tpu.memory_space<vmem>>
    %dma_wait3A_270 = tpu.memref_slice %arg6[%add3A_182] : memref<1003520xf32, #tpu.memory_space<hbm>> -> memref<3920xf32, #tpu.memory_space<hbm>>
    %dma_wait3A_271 = tpu.memref_slice %arg6[%add3A_182] : memref<1003520xf32, #tpu.memory_space<hbm>> -> memref<3920xf32, #tpu.memory_space<hbm>>
    %dma_wait3A_272 = arith.constant 19600 : i32
    %dma_wait3A_273 = tpu.memref_slice %arg11[%dma_wait3A_272] : memref<31360xf32, #tpu.memory_space<vmem>> -> memref<3920xf32, #tpu.memory_space<vmem>>
    tpu.wait_dma2 semaphore(%arg18 : memref<!tpu.dma_semaphore, #tpu.memory_space<semaphore_mem>>) src(%dma_wait3A_273 : memref<3920xf32, #tpu.memory_space<vmem>>) dst(%dma_wait3A_271 : memref<3920xf32, #tpu.memory_space<hbm>>)
    %dma_wait3A_274 = arith.constant 23520 : i32
    %dma_wait3A_275 = tpu.memref_slice %arg11[%dma_wait3A_274] : memref<31360xf32, #tpu.memory_space<vmem>> -> memref<3920xf32, #tpu.memory_space<vmem>>
    %dma_wait3A_276 = tpu.memref_slice %arg6[%add3A_202] : memref<1003520xf32, #tpu.memory_space<hbm>> -> memref<3920xf32, #tpu.memory_space<hbm>>
    %dma_wait3A_277 = tpu.memref_slice %arg6[%add3A_202] : memref<1003520xf32, #tpu.memory_space<hbm>> -> memref<3920xf32, #tpu.memory_space<hbm>>
    %dma_wait3A_278 = arith.constant 23520 : i32
    %dma_wait3A_279 = tpu.memref_slice %arg11[%dma_wait3A_278] : memref<31360xf32, #tpu.memory_space<vmem>> -> memref<3920xf32, #tpu.memory_space<vmem>>
    tpu.wait_dma2 semaphore(%arg18 : memref<!tpu.dma_semaphore, #tpu.memory_space<semaphore_mem>>) src(%dma_wait3A_279 : memref<3920xf32, #tpu.memory_space<vmem>>) dst(%dma_wait3A_277 : memref<3920xf32, #tpu.memory_space<hbm>>)
    %dma_wait3A_280 = arith.constant 27440 : i32
    %dma_wait3A_281 = tpu.memref_slice %arg11[%dma_wait3A_280] : memref<31360xf32, #tpu.memory_space<vmem>> -> memref<3920xf32, #tpu.memory_space<vmem>>
    %dma_wait3A_282 = tpu.memref_slice %arg6[%add3A_222] : memref<1003520xf32, #tpu.memory_space<hbm>> -> memref<3920xf32, #tpu.memory_space<hbm>>
    %dma_wait3A_283 = tpu.memref_slice %arg6[%add3A_222] : memref<1003520xf32, #tpu.memory_space<hbm>> -> memref<3920xf32, #tpu.memory_space<hbm>>
    %dma_wait3A_284 = arith.constant 27440 : i32
    %dma_wait3A_285 = tpu.memref_slice %arg11[%dma_wait3A_284] : memref<31360xf32, #tpu.memory_space<vmem>> -> memref<3920xf32, #tpu.memory_space<vmem>>
    tpu.wait_dma2 semaphore(%arg18 : memref<!tpu.dma_semaphore, #tpu.memory_space<semaphore_mem>>) src(%dma_wait3A_285 : memref<3920xf32, #tpu.memory_space<vmem>>) dst(%dma_wait3A_283 : memref<3920xf32, #tpu.memory_space<hbm>>)
    return
  }
}

</mosaic_0001>

<sc_bundles>
// kernel: kernel.4.cloned.1.call-start
scs
__scs_entry_jumppad:
0x0: {  	(pc) =	sbr.rel $0x88, $3  }
0x1: {  	(tag) =	ssettag $0x0;
	lr =	simm.s32 $0x1  }
0x2: {  	[smem:$0x3F9D] =	sst lr;
	_ =	strace $0xD0000000  }
0x3: {  	_ = 	snop  }
0x4: {  	_ = 	snop  }
0x5: {  	_ = 	snop  }
0x6: {  	_ = 	snop  }
0x7: {  	_ = 	snop  }
__scs_overlays_trampoline_lowered:
0x8: {  	[smem:$0x3FAC] =	sst s0  }
0x9: {  	[smem:$0x3FAD] =	sst s1  }
0xa: {  	[smem:$0x3FAE] =	sst s2  }
0xb: {  	[smem:$0x3FAF] =	sst s3  }
0xc: {  	[smem:$0x3FB0] =	sst s4  }
0xd: {  	[smem:$0x3FB1] =	sst s5  }
0xe: {  	[smem:$0x3FB2] =	sst s6  }
0xf: {  	[smem:$0x3FB3] =	sst s7  }
0x10: {  	[smem:$0x3FB4] =	sst s8  }
0x11: {  	[smem:$0x3FB5] =	sst s9;
	s0 =	simm.s32 @!p0 $0x0  }
0x12: {  	s1 =	sld [smem:$0x3F9B];
	s0 =	simm.s32 @p0 $0x1  }
0x13: {  	[smem:$0x3FB6] =	sst s0;
	s0 =	simm.s32 @!p1 $0x0  }
0x14: {  	s2 =	sld [smem:$0x3F9A];
	s0 =	simm.s32 @p1 $0x1  }
0x15: {  	[smem:$0x3FB7] =	sst s0;
	s0 =	simm.s32 @!p2 $0x0  }
0x16: {  	s3 =	sld [smem:$0x3FDB];
	s0 =	simm.s32 @p2 $0x1  }
0x17: {  	s4 =	simm.s32 $0x1BF5;
	[smem:$0x3FB9] =	sst s0  }
0x18: {  	s0 =	sld [smem:$0x3F9C];
	_ =	swait.ge [sflag:s4], $0x0  }
0x19: {  	s7 =	sld [smem:$0x3F9D]  }
0x1a: {  	s8 =	sadd.s32 $0xFFFFE003, lr  }
0x1b: {  	s9 =	sadd.s32 $0xFFFFFEF7, lr;
	s5 =	simm.s32 $0xFFFFFFFF;
	p2 =	slt.u32 s8, $0xFFFFF086  }
0x1c: {  	p1 =	slt.u32 s9, $0xF7A;
	s5 =	simm.s32 @!p2 $0x0  }
0x1d: {  	s5 =	simm.s32 @p1 $0x1;
	p0 =	seq.s32 s7, s2  }
0x1e: {  	s7 =	smul.u32 @!p0 $0xF7A, s2;
	p2 =	seq.s32 @!p0 s5, $0x0  }
0x1f: {  	s9 =	smul.u32 $0xF7A, s1;
	s8 =	simm.s32 @!p0 $0x1BF5;
	p2 =	por !p2, p0  }
0x20: {  	[sflag:s8] =	ssyncset.s32 @!p0 $0xFFFFF086;
	s6 =	sadd.s32 @!p0 s3, s7;
	s7 =	simm.s32 @!p0 $0x108  }
0x21: {  	s3 =	sadd.s32 s3, s9;
	s6 =	sadd.s32 @!p0 $0x88, s6;
	s7 =	simm.s32 @p2 $0x1082  }
0x22: {  	[simem:s7], [sflag:s8] =	dma.local @!p0 [hbm:s6], $0xF7A  }
0x23: {  	s9 =	sor.u32 $0xD0000000, s2;
	s6 =	simm.s32 $0x108;
	_ =	swait.ge @!p0 [sflag:s8], $0x0  }
0x24: {  	s3 =	sadd.s32 $0x88, s3;
	s6 =	simm.s32 @!p1 $0x1082;
	[sflag:s4] =	ssyncset.s32 $0xFFFFF086  }
0x25: {  	[simem:s6], [sflag:s4] =	dma.local [hbm:s3], $0xF7A  }
0x26: {  	[smem:$0x3F9D] =	sst s1;
	(tag) =	ssettag s2;
	_ =	strace s9  }
0x27: {  	s1 =	sld [smem:$0x3FAD]  }
0x28: {  	s2 =	sld [smem:$0x3FAE]  }
0x29: {  	s4 =	sld [smem:$0x3FB0]  }
0x2a: {  	p0 =	seq.s32 s5, $0x0;
	s5 =	sld [smem:$0x3FB1]  }
0x2b: {  	s6 =	sld [smem:$0x3FB2]  }
0x2c: {  	s7 =	sld [smem:$0x3FB3]  }
0x2d: {  	s3 =	simm.s32 $0x108;
	s8 =	sld [smem:$0x3FB4]  }
0x2e: {  	s3 =	simm.s32 @!p0 $0x1082;
	s9 =	sld [smem:$0x3FB5]  }
0x2f: {  	lr =	sadd.s32 s0, s3;
	s0 =	sld [smem:$0x3FAC]  }
0x30: {  	s3 =	sld [smem:$0x3FAF]  }
0x31: {  	[smem:$0x3FB8] =	sst s10  }
0x32: {  	s10 =	sld [smem:$0x3FB6];
	_ =	sdelay $0x3  }
0x33: {  	p0 =	seq.s32 s10, $0x1;
	s10 =	sld [smem:$0x3FB8];
	_ =	sdelay $0x3  }
0x34: {  	[smem:$0x3FB8] =	sst s10  }
0x35: {  	s10 =	sld [smem:$0x3FB7];
	_ =	sdelay $0x3  }
0x36: {  	p1 =	seq.s32 s10, $0x1;
	s10 =	sld [smem:$0x3FB8];
	_ =	sdelay $0x3  }
0x37: {  	[smem:$0x3FB8] =	sst s10  }
0x38: {  	s10 =	sld [smem:$0x3FB9]  }
0x39: {  	_ = 	snop;
	(pc) =	sbr.ind lr, $3  }
0x3a: {  	_ = 	snop  }
0x3b: {  	_ = 	snop  }
0x3c: {  	p2 =	seq.s32 s10, $0x1;
	s10 =	sld [smem:$0x3FB8]  }
0x3d: {  	_ =	shalt  }
0x3e: {  	_ =	shalt  }
0x3f: {  	_ =	shalt  }
0x40: {  	_ =	shalt  }
0x41: {  	_ =	shalt  }
0x42: {  	_ =	shalt  }
0x43: {  	_ =	shalt  }
0x44: {  	_ =	shalt  }
0x45: {  	_ =	shalt  }
0x46: {  	_ =	shalt  }
0x47: {  	_ =	shalt  }
0x48: {  	_ =	shalt  }
0x49: {  	_ =	shalt  }
0x4a: {  	_ =	shalt  }
0x4b: {  	_ =	shalt  }
0x4c: {  	_ =	shalt  }
0x4d: {  	_ =	shalt  }
0x4e: {  	_ =	shalt  }
0x4f: {  	_ =	shalt  }
0x50: {  	_ =	shalt  }
0x51: {  	_ =	shalt  }
0x52: {  	_ =	shalt  }
0x53: {  	_ =	shalt  }
0x54: {  	_ =	shalt  }
0x55: {  	_ =	shalt  }
0x56: {  	_ =	shalt  }
0x57: {  	_ =	shalt  }
0x58: {  	_ =	shalt  }
0x59: {  	_ =	shalt  }
0x5a: {  	_ =	shalt  }
0x5b: {  	_ =	shalt  }
0x5c: {  	_ =	shalt  }
0x5d: {  	_ =	shalt  }
0x5e: {  	_ =	shalt  }
0x5f: {  	_ =	shalt  }
0x60: {  	_ =	shalt  }
0x61: {  	_ =	shalt  }
0x62: {  	_ =	shalt  }
0x63: {  	_ =	shalt  }
0x64: {  	_ =	shalt  }
0x65: {  	_ =	shalt  }
0x66: {  	_ =	shalt  }
0x67: {  	_ =	shalt  }
0x68: {  	_ =	shalt  }
0x69: {  	_ =	shalt  }
0x6a: {  	_ =	shalt  }
0x6b: {  	_ =	shalt  }
0x6c: {  	_ =	shalt  }
0x6d: {  	_ =	shalt  }
0x6e: {  	_ =	shalt  }
0x6f: {  	_ =	shalt  }
0x70: {  	_ =	shalt  }
0x71: {  	_ =	shalt  }
0x72: {  	_ =	shalt  }
0x73: {  	_ =	shalt  }
0x74: {  	_ =	shalt  }
0x75: {  	_ =	shalt  }
0x76: {  	_ =	shalt  }
0x77: {  	_ =	shalt  }
0x78: {  	_ =	shalt  }
0x79: {  	_ =	shalt  }
0x7a: {  	_ =	shalt  }
0x7b: {  	_ =	shalt  }
0x7c: {  	_ =	shalt  }
0x7d: {  	_ =	shalt  }
0x7e: {  	_ =	shalt  }
0x7f: {  	_ =	shalt  }
0x80: {  	_ =	shalt  }
0x81: {  	_ =	shalt  }
0x82: {  	_ =	shalt  }
0x83: {  	_ =	shalt  }
0x84: {  	_ =	shalt  }
0x85: {  	_ =	shalt  }
0x86: {  	_ =	shalt  }
0x87: {  	_ =	shalt  }
.Lfunc_end0:
.L_simem_size_0:
called_computation_lowered:
.L_overlay_start_0:
0x88: {  	s2 =	sld [smem:$0x3FD9]  }
0x89: {  	s3 =	sld [smem:$0x3FFE];
	_ =	sdelay $0x1  }
0x8a: {  	s1 =	srdreg.scid  }
0x8b: {  	s0 =	sand.u32 $0x1, s1  }
0x8c: {  	s17 =	sshll.u32 s0, $0xA;
	s2 =	sadd.s32 s3, s2  }
0x8d: {  	s2 =	sadd.s32 s2, s17  }
0x8e: {  	[smem:$0x3FC4] =	sst s2  }
0x8f: {  	_ = 	snop  }
0x90: {  	s2 =	sld [smem:$0x3FC6];
	(tm) =	ssettm $0x1  }
0x91: {  	s18 =	sld [smem:$0x3FFB];
	_ =	sdelay $0x3  }
0x92: {  	_ =	strace s18  }
0x93: {  	s3 =	sld [smem:$0x3FFC];
	_ =	sdelay $0x3  }
0x94: {  	_ =	strace s3  }
0x95: {  	s3 =	sld [smem:$0x3FFD];
	_ =	sdelay $0x3  }
0x96: {  	_ =	strace s3  }
0x97: {  	_ =	strace $0x8FFFFFFF  }
0x98: {  	s19 =	sld [smem:$0x3FDB];
	_ =	sdelay $0x1  }
0x99: {  	s4 =	simm.s32 $_scs_section_size  }
0x9a: {  	s5 =	simm.s32 $_size__tile_overlayer_lowered;
	s6 =	simm.s32 $_tile_overlayer_lowered  }
0x9b: {  	s22 =	simm.s32 $0x1BFF;
	s21 =	sshll.u32 s6, $0x1;
	s3 =	sadd.s32 s4, s19  }
0x9c: {  	s7 =	simm.s32 $0x0;
	s20 =	sshll.u32 s5, $0x1;
	s5 =	sadd.s32 s21, s3  }
0x9d: {  	[timem:s7], [sflag:s22] =	dma.local [hbm:s5], s20  }
0x9e: {  	_ =	swait.ge [sflag:s22], s20  }
0x9f: {  	s4 =	ssub.s32 $0x0, s20;
	[sflag:s22] =	ssyncset.done $0x0  }
0xa0: {  	[sflag:s22] =	ssyncadd.s32 s4;
	_ =	sdelay $0x1  }
0xa1: {  	s23 =	simm.s32 $0x1B8B  }
0xa2: {  	_ =	swait.ge [sflag:s23], $0x1  }
0xa3: {  	[sflag:s23] =	ssyncset.done $0x0  }
0xa4: {  	s25 =	simm.s32 $0x1B8E;
	s24 =	sld [smem:$0x3FFE];
	[sflag:s23] =	ssyncadd.s32 $0xFFFFFFFF  }
0xa5: {  	s26 =	simm.s32 $execute0_lowered;
	[smem:$0x3FD2] =	sst s25  }
0xa6: {  	s5 =	sshll.u32 s26, $0x1;
	_ =	strace $0x80000046;
	[dreg:$0x1] =	wrdreg $0xFFFFFFFF  }
0xa7: {  	s28 =	simm.s32 $_size_execute0_lowered;
	s3 =	sadd.s32 s3, s5;
	[dreg:$0x0] =	wrdreg $0x0  }
0xa8: {  	s5 =	sshll.u32 s28, $0x1;
	[dreg:$0x2] =	wrdreg s3  }
0xa9: {  	[dreg:$0x3] =	wrdreg s5  }
0xaa: {  	[dreg:$0x4] =	wrdreg $0xC0  }
0xab: {  	_ =	task [dreg:s7], $0x5FFFF  }
0xac: {  	[dreg:$0x1] =	wrdreg $0xFFFFFFFF  }
0xad: {  	[dreg:$0x0] =	wrdreg $0x60  }
0xae: {  	[dreg:$0x2] =	wrdreg s24  }
0xaf: {  	[dreg:$0x3] =	wrdreg s2  }
0xb0: {  	[dreg:$0x4] =	wrdreg $0x9  }
0xb1: {  	_ =	task.clear_ibuf [dreg:s7], $0x5FFFF;
	_ =	strace $0x90000046  }
0xb2: {  	s29 =	simm.s32 $0x9;
	_ =	strace $0x80000048  }
0xb3: {  	_ =	swait.ge [sflag:s29], $0x1  }
0xb4: {  	[sflag:s29] =	ssyncadd.s32 $0xFFFFFFFF  }
0xb5: {  	_ =	strace $0x90000048  }
0xb6: {  	_ =	sfence  }
0xb7: {  	s30 =	sld [smem:$0x0];
	_ =	sdelay $0x2  }
0xb8: {  	s31 =	sshll.u32 s1, $0xD;
	s1 =	sshrl.u32 s1, $0x2  }
0xb9: {  	s3 =	sand.u32 $0x4000, s31;
	s1 =	sadd.s32 s1, s30  }
0xba: {  	s0 =	sor.u32 s3, s0;
	s1 =	sshll.u32 s1, $0x11  }
0xbb: {  	s0 =	sor.u32 s1, s0  }
0xbc: {  	s0 =	sadd.s32 $0x8F2B, s0  }
0xbd: {  	[sflag:s0] =	ssyncadd.remote.s32 $0x1  }
0xbe: {  	_ =	sfence.sel $0xFFFF  }
0xbf: {  	[dreg:$0x0] =	wrdreg $0xFFFFFFFF;
	(pc) =	sbr.abs _section_cstart, $3  }
0xc0: {  	[dreg:$0x1] =	wrdreg $0xFFFFFFFF  }
0xc1: {  	_ =	task.clear_ibuf [dreg:s7], $0x2FFFF;
	_ =	strace $0x9FFFFFFF  }
0xc2: {  	(tm) =	ssettm $0x7FFFFFFF  }
0xc3: {  	_ =	shalt  }
tec
execute0_lowered:
.L_overlay_start_1:
0x0: {  	(tag) =	ssettag $0x1  }
0x1: {  	s0 =	rddreg [dreg:$0x0]  }
0x2: {  	s2 =	rddreg [dreg:$0x1]  }
0x3: {  	s1 =	srdreg.scid;
	s3 =	stileid.u32  }
0x4: {  	s19 =	simm.s32 $0x1;
	s20 =	simm.s32 $0xF50;
	s28 =	simm.s32 $0x18E20  }
0x5: {  	s29 =	simm.s32 $0x5;
	s31 =	simm.s32 $0x19D70;
	s18 =	simm.s32 $0x1BC10  }
0x6: {  	s30 =	simm.s32 $0x1CB60;
	s17 =	simm.s32 $0x1DAB0;
	s1 =	sand.u32 $0x1, s1  }
0x7: {  	s4 =	sshll.u32 s3, $0x1;
	s5 =	sshrl.u32 s3, $0x2;
	s3 =	simm.s32 $0x0  }
0x8: {  	s4 =	sor.u32 s1, s4;
	s5 =	smul.u32 $0x2400, s5;
	[smem:$0x7FF] =	sst s3  }
0x9: {  	s1 =	ssub.s32 $0x2, s1;
	s6 =	sshll.u32 s4, $0x7;
	s4 =	smul.u32 $0x7A80, s4  }
0xa: {  	_ =	strace $0x80000047;
	s21 =	sshrl.u32 s1, $0x1;
	s6 =	sand.u32 $0x380, s6  }
0xb: {  	s1 =	ssub.s32 s1, s21;
	s21 =	simm.s32 $0x0;
	s4 =	sshrl.u32 s4, $0x3  }
0xc: {  	s5 =	sor.u32 s5, s6;
	s16 =	smax.u32 s1, $0x1;
	s4 =	sadd.s32 s0, s4  }
0xd: {  	s1 =	simm.s32 $0x1ACC0;
	s5 =	sshrl.u32 s5, $0x3;
	s22 =	sadd.s32 $0x1EA00, s4  }
0xe: {  	s0 =	sadd.s32 s5, s0;
	s23 =	sadd.s32 $0x3D400, s4;
	[dreg:$0x3] =	wrdreg s22  }
0xf: {  	s24 =	sadd.s32 $0x5BE00, s4;
	s25 =	sadd.s32 $0x5BFEA, s4;
	[dreg:$0x4] =	wrdreg s23  }
0x10: {  	s26 =	sadd.s32 $0x5C1D4, s4;
	s10 =	sadd.s32 $0x5C3BE, s4;
	[dreg:$0x5] =	wrdreg s24  }
0x11: {  	s11 =	sadd.s32 $0x5C5A8, s4;
	s12 =	sadd.s32 $0x5C792, s4;
	[dreg:$0x6] =	wrdreg s25  }
0x12: {  	s13 =	sadd.s32 $0x5C97C, s4;
	s14 =	sadd.s32 $0x5CB66, s4;
	[dreg:$0x7] =	wrdreg s26  }
0x13: {  	s15 =	sadd.s32 $0x7A800, s0;
	s23 =	simm.s32 $0x2;
	s24 =	simm.s32 $0x3  }
0x14: {  	v0 =	vimm.f32 $0.0e+00;
	vm0 =	vmmov $0x1;
	s25 =	simm.s32 $0x4;
	s0 =	simm.s32 $0x7;
	s26 =	simm.s32 $0x6  }
.LBB2_1:
0x15: {  	s5 =	rddreg [dreg:$0x3]  }
0x16: {  	[tilespmem:s3], [sflag:$0x1] =	stream.linear.gather [hbm4b:s5+s3], $0x7A80, $0x38;
	[tilespmem:$0x1EE80] =	vst v63  }
0x17: {  	s9 =	rddreg [dreg:$0x4];
	s6 =	simm.s32 $0x7A80  }
0x18: {  	[tilespmem:s6], [sflag:$0x2] =	stream.linear.gather [hbm4b:s9+s3], $0x7A80, $0x38;
	[tilespmem:$0x1EE80] =	vst v63  }
0x19: {  	s22 =	simm.s32 $0xF500;
	s5 =	simm.s32 $0x40;
	s6 =	simm.s32 $0x0  }
0x1a: {  	[tilespmem:s22], [sflag:$0x3] =	stream.linear.gather [hbm4b:s4+s3], $0x7A80, $0x38;
	[tilespmem:$0x1EE80] =	vst v63  }
.LBB2_2:
0x1b: {  	p0 =	sne.s32 s5, $0x1000;
	[tilespmem:s6+$0x1EA00] =	vst v0;
	s6 =	smov.u32 s5;
	s5 =	sadd.s32 $0x40, s5  }
.Ltmp0:
0x1c: {  	(pc) =	sbr.rel @p0 .LBB2_2-.Ltmp0, $2  }
0x1d: {  	_ =	sdelay $0x2  }
0x1e: {  	s6 =	sshra.s32 s6, $0x2  }
0x1f: {  	[tilespmem:s6+$0x1EA00] =	vst v0  }
0x20: {  	_ =	swait.ge [sflag:s19], $0x7A80  }
0x21: {  	[sflag:s19] =	ssyncset.done $0x0  }
0x22: {  	s5 =	simm.s32 $0x0;
	s22 =	simm.s32 $0x16F80;
	[sflag:s19] =	ssyncadd.s32 $0xFFFF8580  }
0x23: {  	[tilespmem:s22], [sflag:$0x4] =	stream.indirect.gather [hbm4b:s2+s20], $0x1, s5, s20, $0xb8;
	[tilespmem:$0x1EE80] =	vst v63  }
0x24: {  	s6 =	simm.s32 $0x17ED0  }
0x25: {  	[tilespmem:s6], [sflag:$0x5] =	stream.indirect.gather [hbm4b:s2+s20], $0x1, s20, s20, $0xb8;
	[tilespmem:$0x1EE80] =	vst v63  }
0x26: {  	_ =	swait.ge [sflag:s23], $0x7A80  }
0x27: {  	[sflag:s23] =	ssyncset.done $0x0  }
0x28: {  	[sflag:s23] =	ssyncadd.s32 $0xFFFF8580  }
0x29: {  	_ =	swait.ge [sflag:s24], $0x7A80  }
0x2a: {  	[sflag:s24] =	ssyncset.done $0x0  }
0x2b: {  	[sflag:s24] =	ssyncadd.s32 $0xFFFF8580  }
0x2c: {  	v1 =	vld [tilespmem:$0xF500];
	_ =	sdelay $0x4  }
0x2d: {  	(v2sf) =	vpush v1, $0x0;
	_ =	sdelay $0xe  }
0x2e: {  	s22 =	spop (v2sf)  }
0x2f: {  	_ =	swait.ge [sflag:s25], $0xF50  }
0x30: {  	[sflag:s25] =	ssyncset.done $0x0  }
0x31: {  	s7 =	simm.s32 $0x1EA0;
	s8 =	simm.s32 $0x0;
	[sflag:s25] =	ssyncadd.s32 $0xFFFFF0B0  }
0x32: {  	[tilespmem:s28], [sflag:$0x4] =	stream.indirect.gather [hbm4b:s2+s20], $0x1, s7, s20, $0xb8;
	[tilespmem:$0x1EE80] =	vst v63  }
0x33: {  	v1 =	vld [tilespmem:s8+$0xF500];
	_ =	sdelay $0x4  }
0x34: {  	(v2sf) =	vpush v1, $0x0  }
0x35: {  	(v2sf) =	vpush v1, $0xF;
	_ =	sdelay $0x5  }
0x36: {  	v2 =	vld [tilespmem:s8+$0x7A80]  }
0x37: {  	v3 =	vld [tilespmem:s8+$0x16F80];
	_ =	sdelay $0x4  }
0x38: {  	v2 =	vadd.f32 v2, v3;
	_ =	sdelay $0x1  }
0x39: {  	v2 =	vmul.f32 $1.442695020e+00, v2;
	s9 =	spop (v2sf)  }
0x3a: {  	s7 =	spop (v2sf)  }
0x3b: {  	(erf) = vpow2.f32 v2;
	p0 =	sne.s32 s9, s22;
	p1 =	sne.s32 s9, s7  }
0x3c: {  	v2 =	vimm.f32 $0.0e+00;
	p1 =	por p1, p0  }
0x3d: {  	(xrf2) =	vadd.scan.msk.f32 @p1 $0xffff, v2;
	_ =	sdelay $0x6  }
0x3e: {  	v3 =	vpop (erf)  }
0x3f: {  	[tilespmem:s8+$0x16F80] =	vst v3  }
0x40: {  	v4 =	vld @p1 [tilespmem:s22+$0x1EA00]  }
0x41: {  	v5, _, _ =	vpop @p1 (xrf2)  }
0x42: {  	v5 =	vbroadcast @p1 v5, $0xF  }
0x43: {  	vm1 =	vmmov @p1 $0x1  }
0x44: {  	p2 =	seq.s32 s9, s7;
	v2 =	vadd.f32 v3, v2;
	v5 =	vnsel @p1 vm1, $0x0, v5  }
0x45: {  	s5 =	smov.u32 s22;
	v6 =	vpsel !p2, $0x0, v3;
	v4 =	vadd.f32 @p1 v4, v5  }
0x46: {  	s6 =	simm.s32 $0x40;
	s5 =	smov.u32 @p1 s7;
	s7 =	simm.s32 @!p2 $0x1EA00;
	v2 =	vpsel p1, v6, v2  }
.LBB2_4:
0x47: {  	[tilespmem:s22+$0x1EA00] =	vst @p1 v4;
	s8 =	smov.u32 s6;
	s6 =	sadd.s32 $0x40, s6;
	s22 =	smov.u32 s5  }
0x48: {  	s8 =	sshra.s32 s8, $0x2;
	p0 =	sne.s32 s6, $0x3D40;
	[tilespmem:v1+s7+$0x0] =	vst.idx.add.f32.msk @!p2 $0xffff, v3  }
0x49: {  	v1 =	vld [tilespmem:s8+$0xF500];
	_ =	sdelay $0x4  }
0x4a: {  	(v2sf) =	vpush v1, $0x0  }
0x4b: {  	(v2sf) =	vpush v1, $0xF;
	_ =	sdelay $0x4  }
0x4c: {  	v3 =	vld [tilespmem:s8+$0x7A80]  }
0x4d: {  	v4 =	vld [tilespmem:s8+$0x16F80];
	_ =	sdelay $0x4  }
0x4e: {  	v3 =	vadd.f32 v3, v4;
	_ =	sdelay $0x1  }
0x4f: {  	v3 =	vmul.f32 $1.442695020e+00, v3  }
0x50: {  	s7 =	spop (v2sf)  }
0x51: {  	p1 =	sne.s32 s7, s5;
	(erf) = vpow2.f32 v3;
	s9 =	spop (v2sf)  }
0x52: {  	p2 =	sne.s32 s7, s9  }
0x53: {  	p1 =	por p2, p1  }
0x54: {  	s5 =	smov.u32 @p1 s9;
	(xrf2) =	vadd.scan.msk.f32 @p1 $0xffff, v2;
	_ =	sdelay $0x5  }
0x55: {  	v3 =	vpop (erf)  }
0x56: {  	p2 =	seq.s32 s7, s9;
	[tilespmem:s8+$0x16F80] =	vst v3;
	v2 =	vadd.f32 v3, v2  }
0x57: {  	v6 =	vpsel !p2, $0x0, v3;
	v4 =	vld @p1 [tilespmem:s22+$0x1EA00]  }
0x58: {  	v2 =	vpsel p1, v6, v2  }
0x59: {  	v5, _, _ =	vpop @p1 (xrf2)  }
.Ltmp1:
0x5a: {  	vm1 =	vmmov @p1 $0x1;
	v5 =	vbroadcast @p1 v5, $0xF;
	(pc) =	sbr.rel @p0 .LBB2_4-.Ltmp1, $4  }
0x5b: {  	_ = 	snop  }
0x5c: {  	v5 =	vnsel @p1 vm1, $0x0, v5  }
0x5d: {  	v4 =	vadd.f32 @p1 v4, v5  }
0x5e: {  	s7 =	simm.s32 @!p2 $0x1EA00  }
0x5f: {  	_ =	sdelay $0x2  }
0x60: {  	[tilespmem:s22+$0x1EA00] =	vst @p1 v4  }
0x61: {  	s6 =	simm.s32 $0x0;
	s22 =	rddreg [dreg:$0x5];
	s8 =	simm.s32 $0x16F80;
	[tilespmem:v1+s7+$0x0] =	vst.idx.add.f32.msk @!p2 $0xffff, v3  }
0x62: {  	[hbm4b:s22+s6] =	stream.linear.scatter [tilespmem:s8], [sflag:$0x6], $0xF50, $0x38;
	[tilespmem:$0x1EE80] =	vst v63  }
0x63: {  	_ =	swait.ge [sflag:s29], $0xF50  }
0x64: {  	[sflag:s29] =	ssyncset.done $0x0  }
0x65: {  	s9 =	simm.s32 $0x0;
	s8 =	simm.s32 $0x2DF0;
	[sflag:s29] =	ssyncadd.s32 $0xFFFFF0B0  }
0x66: {  	[tilespmem:s31], [sflag:$0x5] =	stream.indirect.gather [hbm4b:s2+s20], $0x1, s8, s20, $0xb8;
	[tilespmem:$0x1EE80] =	vst v63  }
0x67: {  	v1 =	vld [tilespmem:s9+$0x10450];
	_ =	sdelay $0x4  }
0x68: {  	(v2sf) =	vpush v1, $0x0  }
0x69: {  	(v2sf) =	vpush v1, $0xF;
	_ =	sdelay $0x5  }
0x6a: {  	v3 =	vld [tilespmem:s9+$0x89D0]  }
0x6b: {  	v4 =	vld [tilespmem:s9+$0x17ED0];
	_ =	sdelay $0x4  }
0x6c: {  	v3 =	vadd.f32 v3, v4;
	_ =	sdelay $0x1  }
0x6d: {  	v3 =	vmul.f32 $1.442695020e+00, v3;
	s22 =	spop (v2sf)  }
0x6e: {  	s8 =	spop (v2sf)  }
0x6f: {  	(erf) = vpow2.f32 v3;
	p0 =	sne.s32 s22, s5;
	p6 =	sne.s32 s22, s8  }
0x70: {  	p1 =	por p6, p0  }
0x71: {  	(xrf2) =	vadd.scan.msk.f32 @p1 $0xffff, v2;
	_ =	sdelay $0x6  }
0x72: {  	v3 =	vpop (erf)  }
0x73: {  	[tilespmem:s9+$0x17ED0] =	vst v3  }
0x74: {  	v4 =	vld @p1 [tilespmem:s5+$0x1EA00]  }
0x75: {  	v5, _, _ =	vpop @p1 (xrf2)  }
0x76: {  	v5 =	vbroadcast @p1 v5, $0xF  }
0x77: {  	vm1 =	vmmov @p1 $0x1  }
0x78: {  	p2 =	seq.s32 s22, s8;
	v2 =	vadd.f32 v3, v2;
	v5 =	vnsel @p1 vm1, $0x0, v5  }
0x79: {  	s22 =	smov.u32 s5;
	v6 =	vpsel !p2, $0x0, v3;
	v4 =	vadd.f32 @p1 v4, v5  }
0x7a: {  	s6 =	simm.s32 $0x40;
	s7 =	simm.s32 @!p2 $0x1EA00;
	s22 =	smov.u32 @p1 s8;
	v2 =	vpsel p1, v6, v2  }
.LBB2_6:
0x7b: {  	[tilespmem:s5+$0x1EA00] =	vst @p1 v4;
	s8 =	smov.u32 s6;
	s6 =	sadd.s32 $0x40, s6;
	s5 =	smov.u32 s22  }
0x7c: {  	s8 =	sshra.s32 s8, $0x2;
	p0 =	sne.s32 s6, $0x3D40;
	[tilespmem:v1+s7+$0x0] =	vst.idx.add.f32.msk @!p2 $0xffff, v3  }
0x7d: {  	v1 =	vld [tilespmem:s8+$0x10450];
	_ =	sdelay $0x4  }
0x7e: {  	(v2sf) =	vpush v1, $0x0  }
0x7f: {  	(v2sf) =	vpush v1, $0xF;
	_ =	sdelay $0x4  }
0x80: {  	v3 =	vld [tilespmem:s8+$0x89D0]  }
0x81: {  	v4 =	vld [tilespmem:s8+$0x17ED0];
	_ =	sdelay $0x4  }
0x82: {  	v3 =	vadd.f32 v3, v4;
	_ =	sdelay $0x1  }
0x83: {  	v3 =	vmul.f32 $1.442695020e+00, v3  }
0x84: {  	s7 =	spop (v2sf)  }
0x85: {  	p1 =	sne.s32 s7, s22;
	(erf) = vpow2.f32 v3;
	s9 =	spop (v2sf)  }
0x86: {  	p2 =	sne.s32 s7, s9  }
0x87: {  	p1 =	por p2, p1  }
0x88: {  	s22 =	smov.u32 @p1 s9;
	(xrf2) =	vadd.scan.msk.f32 @p1 $0xffff, v2;
	_ =	sdelay $0x5  }
0x89: {  	v3 =	vpop (erf)  }
0x8a: {  	p2 =	seq.s32 s7, s9;
	[tilespmem:s8+$0x17ED0] =	vst v3;
	v2 =	vadd.f32 v3, v2  }
0x8b: {  	v6 =	vpsel !p2, $0x0, v3;
	v4 =	vld @p1 [tilespmem:s5+$0x1EA00]  }
0x8c: {  	v2 =	vpsel p1, v6, v2  }
0x8d: {  	v5, _, _ =	vpop @p1 (xrf2)  }
.Ltmp2:
0x8e: {  	vm1 =	vmmov @p1 $0x1;
	v5 =	vbroadcast @p1 v5, $0xF;
	(pc) =	sbr.rel @p0 .LBB2_6-.Ltmp2, $4  }
0x8f: {  	_ = 	snop  }
0x90: {  	v5 =	vnsel @p1 vm1, $0x0, v5  }
0x91: {  	v4 =	vadd.f32 @p1 v4, v5  }
0x92: {  	s7 =	simm.s32 @!p2 $0x1EA00  }
0x93: {  	_ =	sdelay $0x2  }
0x94: {  	[tilespmem:s5+$0x1EA00] =	vst @p1 v4  }
0x95: {  	s8 =	simm.s32 $0x0;
	s6 =	rddreg [dreg:$0x6];
	s9 =	simm.s32 $0x17ED0;
	[tilespmem:v1+s7+$0x0] =	vst.idx.add.f32.msk @!p2 $0xffff, v3  }
0x96: {  	[hbm4b:s6+s8] =	stream.linear.scatter [tilespmem:s9], [sflag:$0x6], $0xF50, $0x38;
	[tilespmem:$0x1EE80] =	vst v63  }
0x97: {  	_ =	swait.ge [sflag:s25], $0xF50  }
0x98: {  	[sflag:s25] =	ssyncset.done $0x0  }
0x99: {  	s7 =	simm.s32 $0x3D40;
	s8 =	simm.s32 $0x0;
	[sflag:s25] =	ssyncadd.s32 $0xFFFFF0B0  }
0x9a: {  	[tilespmem:s1], [sflag:$0x4] =	stream.indirect.gather [hbm4b:s2+s20], $0x1, s7, s20, $0xb8;
	[tilespmem:$0x1EE80] =	vst v63  }
0x9b: {  	v1 =	vld [tilespmem:s8+$0x113A0];
	_ =	sdelay $0x4  }
0x9c: {  	(v2sf) =	vpush v1, $0x0  }
0x9d: {  	(v2sf) =	vpush v1, $0xF;
	_ =	sdelay $0x5  }
0x9e: {  	v3 =	vld [tilespmem:s8+$0x9920]  }
0x9f: {  	v4 =	vld [tilespmem:s8+$0x18E20];
	_ =	sdelay $0x4  }
0xa0: {  	v3 =	vadd.f32 v3, v4;
	_ =	sdelay $0x1  }
0xa1: {  	v3 =	vmul.f32 $1.442695020e+00, v3;
	s9 =	spop (v2sf)  }
0xa2: {  	s7 =	spop (v2sf)  }
0xa3: {  	(erf) = vpow2.f32 v3;
	p0 =	sne.s32 s9, s22;
	p6 =	sne.s32 s9, s7  }
0xa4: {  	p1 =	por p6, p0  }
0xa5: {  	(xrf2) =	vadd.scan.msk.f32 @p1 $0xffff, v2;
	_ =	sdelay $0x6  }
0xa6: {  	v3 =	vpop (erf)  }
0xa7: {  	[tilespmem:s8+$0x18E20] =	vst v3  }
0xa8: {  	v4 =	vld @p1 [tilespmem:s22+$0x1EA00]  }
0xa9: {  	v5, _, _ =	vpop @p1 (xrf2)  }
0xaa: {  	v5 =	vbroadcast @p1 v5, $0xF  }
0xab: {  	vm1 =	vmmov @p1 $0x1  }
0xac: {  	p2 =	seq.s32 s9, s7;
	v2 =	vadd.f32 v3, v2;
	v5 =	vnsel @p1 vm1, $0x0, v5  }
0xad: {  	s5 =	smov.u32 s22;
	v6 =	vpsel !p2, $0x0, v3;
	v4 =	vadd.f32 @p1 v4, v5  }
0xae: {  	s6 =	simm.s32 $0x40;
	s5 =	smov.u32 @p1 s7;
	s7 =	simm.s32 @!p2 $0x1EA00;
	v2 =	vpsel p1, v6, v2  }
.LBB2_8:
0xaf: {  	[tilespmem:s22+$0x1EA00] =	vst @p1 v4;
	s8 =	smov.u32 s6;
	s6 =	sadd.s32 $0x40, s6;
	s22 =	smov.u32 s5  }
0xb0: {  	s8 =	sshra.s32 s8, $0x2;
	p0 =	sne.s32 s6, $0x3D40;
	[tilespmem:v1+s7+$0x0] =	vst.idx.add.f32.msk @!p2 $0xffff, v3  }
0xb1: {  	v1 =	vld [tilespmem:s8+$0x113A0];
	_ =	sdelay $0x4  }
0xb2: {  	(v2sf) =	vpush v1, $0x0  }
0xb3: {  	(v2sf) =	vpush v1, $0xF;
	_ =	sdelay $0x4  }
0xb4: {  	v3 =	vld [tilespmem:s8+$0x9920]  }
0xb5: {  	v4 =	vld [tilespmem:s8+$0x18E20];
	_ =	sdelay $0x4  }
0xb6: {  	v3 =	vadd.f32 v3, v4;
	_ =	sdelay $0x1  }
0xb7: {  	v3 =	vmul.f32 $1.442695020e+00, v3  }
0xb8: {  	s7 =	spop (v2sf)  }
0xb9: {  	p1 =	sne.s32 s7, s5;
	(erf) = vpow2.f32 v3;
	s9 =	spop (v2sf)  }
0xba: {  	p2 =	sne.s32 s7, s9  }
0xbb: {  	p1 =	por p2, p1  }
0xbc: {  	s5 =	smov.u32 @p1 s9;
	(xrf2) =	vadd.scan.msk.f32 @p1 $0xffff, v2;
	_ =	sdelay $0x5  }
0xbd: {  	v3 =	vpop (erf)  }
0xbe: {  	p2 =	seq.s32 s7, s9;
	[tilespmem:s8+$0x18E20] =	vst v3;
	v2 =	vadd.f32 v3, v2  }
0xbf: {  	v6 =	vpsel !p2, $0x0, v3;
	v4 =	vld @p1 [tilespmem:s22+$0x1EA00]  }
0xc0: {  	v2 =	vpsel p1, v6, v2  }
0xc1: {  	v5, _, _ =	vpop @p1 (xrf2)  }
.Ltmp3:
0xc2: {  	vm1 =	vmmov @p1 $0x1;
	v5 =	vbroadcast @p1 v5, $0xF;
	(pc) =	sbr.rel @p0 .LBB2_8-.Ltmp3, $4  }
0xc3: {  	_ = 	snop  }
0xc4: {  	v5 =	vnsel @p1 vm1, $0x0, v5  }
0xc5: {  	v4 =	vadd.f32 @p1 v4, v5  }
0xc6: {  	s7 =	simm.s32 @!p2 $0x1EA00  }
0xc7: {  	_ =	sdelay $0x2  }
0xc8: {  	[tilespmem:s22+$0x1EA00] =	vst @p1 v4  }
0xc9: {  	s6 =	simm.s32 $0x0;
	s22 =	rddreg [dreg:$0x7];
	[tilespmem:v1+s7+$0x0] =	vst.idx.add.f32.msk @!p2 $0xffff, v3  }
0xca: {  	[hbm4b:s22+s6] =	stream.linear.scatter [tilespmem:s28], [sflag:$0x6], $0xF50, $0x38;
	[tilespmem:$0x1EE80] =	vst v63  }
0xcb: {  	_ =	swait.ge [sflag:s29], $0xF50  }
0xcc: {  	[sflag:s29] =	ssyncset.done $0x0  }
0xcd: {  	s8 =	simm.s32 $0x4C90;
	s9 =	simm.s32 $0x0;
	[sflag:s29] =	ssyncadd.s32 $0xFFFFF0B0  }
0xce: {  	[tilespmem:s18], [sflag:$0x5] =	stream.indirect.gather [hbm4b:s2+s20], $0x1, s8, s20, $0xb8;
	[tilespmem:$0x1EE80] =	vst v63  }
0xcf: {  	v1 =	vld [tilespmem:s9+$0x122F0];
	_ =	sdelay $0x4  }
0xd0: {  	(v2sf) =	vpush v1, $0x0  }
0xd1: {  	(v2sf) =	vpush v1, $0xF;
	_ =	sdelay $0x5  }
0xd2: {  	v3 =	vld [tilespmem:s9+$0xA870]  }
0xd3: {  	v4 =	vld [tilespmem:s9+$0x19D70];
	_ =	sdelay $0x4  }
0xd4: {  	v3 =	vadd.f32 v3, v4;
	_ =	sdelay $0x1  }
0xd5: {  	v3 =	vmul.f32 $1.442695020e+00, v3;
	s22 =	spop (v2sf)  }
0xd6: {  	s8 =	spop (v2sf)  }
0xd7: {  	(erf) = vpow2.f32 v3;
	p0 =	sne.s32 s22, s5;
	p6 =	sne.s32 s22, s8  }
0xd8: {  	p1 =	por p6, p0  }
0xd9: {  	(xrf2) =	vadd.scan.msk.f32 @p1 $0xffff, v2;
	_ =	sdelay $0x6  }
0xda: {  	v3 =	vpop (erf)  }
0xdb: {  	[tilespmem:s9+$0x19D70] =	vst v3  }
0xdc: {  	v4 =	vld @p1 [tilespmem:s5+$0x1EA00]  }
0xdd: {  	v5, _, _ =	vpop @p1 (xrf2)  }
0xde: {  	v5 =	vbroadcast @p1 v5, $0xF  }
0xdf: {  	vm1 =	vmmov @p1 $0x1  }
0xe0: {  	p2 =	seq.s32 s22, s8;
	v2 =	vadd.f32 v3, v2;
	v5 =	vnsel @p1 vm1, $0x0, v5  }
0xe1: {  	s22 =	smov.u32 s5;
	v6 =	vpsel !p2, $0x0, v3;
	v4 =	vadd.f32 @p1 v4, v5  }
0xe2: {  	s6 =	simm.s32 $0x40;
	s7 =	simm.s32 @!p2 $0x1EA00;
	s22 =	smov.u32 @p1 s8;
	v2 =	vpsel p1, v6, v2  }
.LBB2_10:
0xe3: {  	[tilespmem:s5+$0x1EA00] =	vst @p1 v4;
	s8 =	smov.u32 s6;
	s6 =	sadd.s32 $0x40, s6;
	s5 =	smov.u32 s22  }
0xe4: {  	s8 =	sshra.s32 s8, $0x2;
	p0 =	sne.s32 s6, $0x3D40;
	[tilespmem:v1+s7+$0x0] =	vst.idx.add.f32.msk @!p2 $0xffff, v3  }
0xe5: {  	v1 =	vld [tilespmem:s8+$0x122F0];
	_ =	sdelay $0x4  }
0xe6: {  	(v2sf) =	vpush v1, $0x0  }
0xe7: {  	(v2sf) =	vpush v1, $0xF;
	_ =	sdelay $0x4  }
0xe8: {  	v3 =	vld [tilespmem:s8+$0xA870]  }
0xe9: {  	v4 =	vld [tilespmem:s8+$0x19D70];
	_ =	sdelay $0x4  }
0xea: {  	v3 =	vadd.f32 v3, v4;
	_ =	sdelay $0x1  }
0xeb: {  	v3 =	vmul.f32 $1.442695020e+00, v3  }
0xec: {  	s7 =	spop (v2sf)  }
0xed: {  	p1 =	sne.s32 s7, s22;
	(erf) = vpow2.f32 v3;
	s9 =	spop (v2sf)  }
0xee: {  	p2 =	sne.s32 s7, s9  }
0xef: {  	p1 =	por p2, p1  }
0xf0: {  	s22 =	smov.u32 @p1 s9;
	(xrf2) =	vadd.scan.msk.f32 @p1 $0xffff, v2;
	_ =	sdelay $0x5  }
0xf1: {  	v3 =	vpop (erf)  }
0xf2: {  	p2 =	seq.s32 s7, s9;
	[tilespmem:s8+$0x19D70] =	vst v3;
	v2 =	vadd.f32 v3, v2  }
0xf3: {  	v6 =	vpsel !p2, $0x0, v3;
	v4 =	vld @p1 [tilespmem:s5+$0x1EA00]  }
0xf4: {  	v2 =	vpsel p1, v6, v2  }
0xf5: {  	v5, _, _ =	vpop @p1 (xrf2)  }
.Ltmp4:
0xf6: {  	vm1 =	vmmov @p1 $0x1;
	v5 =	vbroadcast @p1 v5, $0xF;
	(pc) =	sbr.rel @p0 .LBB2_10-.Ltmp4, $4  }
0xf7: {  	_ = 	snop  }
0xf8: {  	v5 =	vnsel @p1 vm1, $0x0, v5  }
0xf9: {  	v4 =	vadd.f32 @p1 v4, v5  }
0xfa: {  	s7 =	simm.s32 @!p2 $0x1EA00  }
0xfb: {  	_ =	sdelay $0x2  }
0xfc: {  	[tilespmem:s5+$0x1EA00] =	vst @p1 v4  }
0xfd: {  	[tilespmem:v1+s7+$0x0] =	vst.idx.add.f32.msk @!p2 $0xffff, v3;
	s7 =	simm.s32 $0x0  }
0xfe: {  	[hbm4b:s10+s7] =	stream.linear.scatter [tilespmem:s31], [sflag:$0x6], $0xF50, $0x38;
	[tilespmem:$0x1EE80] =	vst v63  }
0xff: {  	_ =	swait.ge [sflag:s25], $0xF50  }
0x100: {  	[sflag:s25] =	ssyncset.done $0x0  }
0x101: {  	s8 =	simm.s32 $0x5BE0;
	s9 =	simm.s32 $0x0;
	[sflag:s25] =	ssyncadd.s32 $0xFFFFF0B0  }
0x102: {  	[tilespmem:s30], [sflag:$0x4] =	stream.indirect.gather [hbm4b:s2+s20], $0x1, s8, s20, $0xb8;
	[tilespmem:$0x1EE80] =	vst v63  }
0x103: {  	v1 =	vld [tilespmem:s9+$0x13240];
	_ =	sdelay $0x4  }
0x104: {  	(v2sf) =	vpush v1, $0x0  }
0x105: {  	(v2sf) =	vpush v1, $0xF;
	_ =	sdelay $0x5  }
0x106: {  	v3 =	vld [tilespmem:s9+$0xB7C0]  }
0x107: {  	v4 =	vld [tilespmem:s9+$0x1ACC0];
	_ =	sdelay $0x4  }
0x108: {  	v3 =	vadd.f32 v3, v4;
	_ =	sdelay $0x1  }
0x109: {  	v3 =	vmul.f32 $1.442695020e+00, v3;
	s6 =	spop (v2sf)  }
0x10a: {  	s7 =	spop (v2sf)  }
0x10b: {  	(erf) = vpow2.f32 v3;
	p0 =	sne.s32 s6, s22;
	p6 =	sne.s32 s6, s7  }
0x10c: {  	p1 =	por p6, p0  }
0x10d: {  	(xrf2) =	vadd.scan.msk.f32 @p1 $0xffff, v2;
	_ =	sdelay $0x6  }
0x10e: {  	v3 =	vpop (erf)  }
0x10f: {  	[tilespmem:s9+$0x1ACC0] =	vst v3  }
0x110: {  	v4 =	vld @p1 [tilespmem:s22+$0x1EA00]  }
0x111: {  	v5, _, _ =	vpop @p1 (xrf2)  }
0x112: {  	v5 =	vbroadcast @p1 v5, $0xF  }
0x113: {  	vm1 =	vmmov @p1 $0x1  }
0x114: {  	p2 =	seq.s32 s6, s7;
	v2 =	vadd.f32 v3, v2;
	v5 =	vnsel @p1 vm1, $0x0, v5  }
0x115: {  	s5 =	smov.u32 s22;
	v6 =	vpsel !p2, $0x0, v3;
	v4 =	vadd.f32 @p1 v4, v5  }
0x116: {  	s6 =	simm.s32 $0x40;
	s5 =	smov.u32 @p1 s7;
	s7 =	simm.s32 @!p2 $0x1EA00;
	v2 =	vpsel p1, v6, v2  }
.LBB2_12:
0x117: {  	[tilespmem:s22+$0x1EA00] =	vst @p1 v4;
	s8 =	smov.u32 s6;
	s6 =	sadd.s32 $0x40, s6;
	s22 =	smov.u32 s5  }
0x118: {  	s8 =	sshra.s32 s8, $0x2;
	p0 =	sne.s32 s6, $0x3D40;
	[tilespmem:v1+s7+$0x0] =	vst.idx.add.f32.msk @!p2 $0xffff, v3  }
0x119: {  	v1 =	vld [tilespmem:s8+$0x13240];
	_ =	sdelay $0x4  }
0x11a: {  	(v2sf) =	vpush v1, $0x0  }
0x11b: {  	(v2sf) =	vpush v1, $0xF;
	_ =	sdelay $0x4  }
0x11c: {  	v3 =	vld [tilespmem:s8+$0xB7C0]  }
0x11d: {  	v4 =	vld [tilespmem:s8+$0x1ACC0];
	_ =	sdelay $0x4  }
0x11e: {  	v3 =	vadd.f32 v3, v4;
	_ =	sdelay $0x1  }
0x11f: {  	v3 =	vmul.f32 $1.442695020e+00, v3  }
0x120: {  	s7 =	spop (v2sf)  }
0x121: {  	p1 =	sne.s32 s7, s5;
	(erf) = vpow2.f32 v3;
	s9 =	spop (v2sf)  }
0x122: {  	p2 =	sne.s32 s7, s9  }
0x123: {  	p1 =	por p2, p1  }
0x124: {  	s5 =	smov.u32 @p1 s9;
	(xrf2) =	vadd.scan.msk.f32 @p1 $0xffff, v2;
	_ =	sdelay $0x5  }
0x125: {  	v3 =	vpop (erf)  }
0x126: {  	p2 =	seq.s32 s7, s9;
	[tilespmem:s8+$0x1ACC0] =	vst v3;
	v2 =	vadd.f32 v3, v2  }
0x127: {  	v6 =	vpsel !p2, $0x0, v3;
	v4 =	vld @p1 [tilespmem:s22+$0x1EA00]  }
0x128: {  	v2 =	vpsel p1, v6, v2  }
0x129: {  	v5, _, _ =	vpop @p1 (xrf2)  }
.Ltmp5:
0x12a: {  	vm1 =	vmmov @p1 $0x1;
	v5 =	vbroadcast @p1 v5, $0xF;
	(pc) =	sbr.rel @p0 .LBB2_12-.Ltmp5, $4  }
0x12b: {  	_ = 	snop  }
0x12c: {  	v5 =	vnsel @p1 vm1, $0x0, v5  }
0x12d: {  	v4 =	vadd.f32 @p1 v4, v5  }
0x12e: {  	s7 =	simm.s32 @!p2 $0x1EA00  }
0x12f: {  	_ =	sdelay $0x2  }
0x130: {  	[tilespmem:s22+$0x1EA00] =	vst @p1 v4  }
0x131: {  	s6 =	simm.s32 $0x0;
	[tilespmem:v1+s7+$0x0] =	vst.idx.add.f32.msk @!p2 $0xffff, v3  }
0x132: {  	[hbm4b:s11+s6] =	stream.linear.scatter [tilespmem:s1], [sflag:$0x6], $0xF50, $0x38;
	[tilespmem:$0x1EE80] =	vst v63  }
0x133: {  	_ =	swait.ge [sflag:s29], $0xF50  }
0x134: {  	[sflag:s29] =	ssyncset.done $0x0  }
0x135: {  	s8 =	simm.s32 $0x6B30;
	s9 =	simm.s32 $0x0;
	[sflag:s29] =	ssyncadd.s32 $0xFFFFF0B0  }
0x136: {  	[tilespmem:s17], [sflag:$0x5] =	stream.indirect.gather [hbm4b:s2+s20], $0x1, s8, s20, $0xb8;
	[tilespmem:$0x1EE80] =	vst v63  }
0x137: {  	v1 =	vld [tilespmem:s9+$0x14190];
	_ =	sdelay $0x4  }
0x138: {  	(v2sf) =	vpush v1, $0x0  }
0x139: {  	(v2sf) =	vpush v1, $0xF;
	_ =	sdelay $0x5  }
0x13a: {  	v3 =	vld [tilespmem:s9+$0xC710]  }
0x13b: {  	v4 =	vld [tilespmem:s9+$0x1BC10];
	_ =	sdelay $0x4  }
0x13c: {  	v3 =	vadd.f32 v3, v4;
	_ =	sdelay $0x1  }
0x13d: {  	v3 =	vmul.f32 $1.442695020e+00, v3;
	s22 =	spop (v2sf)  }
0x13e: {  	s8 =	spop (v2sf)  }
0x13f: {  	(erf) = vpow2.f32 v3;
	p0 =	sne.s32 s22, s5;
	p6 =	sne.s32 s22, s8  }
0x140: {  	p1 =	por p6, p0  }
0x141: {  	(xrf2) =	vadd.scan.msk.f32 @p1 $0xffff, v2;
	_ =	sdelay $0x6  }
0x142: {  	v3 =	vpop (erf)  }
0x143: {  	[tilespmem:s9+$0x1BC10] =	vst v3  }
0x144: {  	v4 =	vld @p1 [tilespmem:s5+$0x1EA00]  }
0x145: {  	v5, _, _ =	vpop @p1 (xrf2)  }
0x146: {  	v5 =	vbroadcast @p1 v5, $0xF  }
0x147: {  	vm1 =	vmmov @p1 $0x1  }
0x148: {  	p2 =	seq.s32 s22, s8;
	v2 =	vadd.f32 v3, v2;
	v5 =	vnsel @p1 vm1, $0x0, v5  }
0x149: {  	s22 =	smov.u32 s5;
	v6 =	vpsel !p2, $0x0, v3;
	v4 =	vadd.f32 @p1 v4, v5  }
0x14a: {  	s6 =	simm.s32 $0x40;
	s7 =	simm.s32 @!p2 $0x1EA00;
	s22 =	smov.u32 @p1 s8;
	v2 =	vpsel p1, v6, v2  }
.LBB2_14:
0x14b: {  	[tilespmem:s5+$0x1EA00] =	vst @p1 v4;
	s8 =	smov.u32 s6;
	s6 =	sadd.s32 $0x40, s6;
	s5 =	smov.u32 s22  }
0x14c: {  	s8 =	sshra.s32 s8, $0x2;
	p0 =	sne.s32 s6, $0x3D40;
	[tilespmem:v1+s7+$0x0] =	vst.idx.add.f32.msk @!p2 $0xffff, v3  }
0x14d: {  	v1 =	vld [tilespmem:s8+$0x14190];
	_ =	sdelay $0x4  }
0x14e: {  	(v2sf) =	vpush v1, $0x0  }
0x14f: {  	(v2sf) =	vpush v1, $0xF;
	_ =	sdelay $0x4  }
0x150: {  	v3 =	vld [tilespmem:s8+$0xC710]  }
0x151: {  	v4 =	vld [tilespmem:s8+$0x1BC10];
	_ =	sdelay $0x4  }
0x152: {  	v3 =	vadd.f32 v3, v4;
	_ =	sdelay $0x1  }
0x153: {  	v3 =	vmul.f32 $1.442695020e+00, v3  }
0x154: {  	s7 =	spop (v2sf)  }
0x155: {  	p1 =	sne.s32 s7, s22;
	(erf) = vpow2.f32 v3;
	s9 =	spop (v2sf)  }
0x156: {  	p2 =	sne.s32 s7, s9  }
0x157: {  	p1 =	por p2, p1  }
0x158: {  	s22 =	smov.u32 @p1 s9;
	(xrf2) =	vadd.scan.msk.f32 @p1 $0xffff, v2;
	_ =	sdelay $0x5  }
0x159: {  	v3 =	vpop (erf)  }
0x15a: {  	p2 =	seq.s32 s7, s9;
	[tilespmem:s8+$0x1BC10] =	vst v3;
	v2 =	vadd.f32 v3, v2  }
0x15b: {  	v6 =	vpsel !p2, $0x0, v3;
	v4 =	vld @p1 [tilespmem:s5+$0x1EA00]  }
0x15c: {  	v2 =	vpsel p1, v6, v2  }
0x15d: {  	v5, _, _ =	vpop @p1 (xrf2)  }
.Ltmp6:
0x15e: {  	vm1 =	vmmov @p1 $0x1;
	v5 =	vbroadcast @p1 v5, $0xF;
	(pc) =	sbr.rel @p0 .LBB2_14-.Ltmp6, $4  }
0x15f: {  	_ = 	snop  }
0x160: {  	v5 =	vnsel @p1 vm1, $0x0, v5  }
0x161: {  	v4 =	vadd.f32 @p1 v4, v5  }
0x162: {  	s7 =	simm.s32 @!p2 $0x1EA00  }
0x163: {  	_ =	sdelay $0x2  }
0x164: {  	[tilespmem:s5+$0x1EA00] =	vst @p1 v4  }
0x165: {  	s8 =	simm.s32 $0x0;
	[tilespmem:v1+s7+$0x0] =	vst.idx.add.f32.msk @!p2 $0xffff, v3  }
0x166: {  	[hbm4b:s12+s8] =	stream.linear.scatter [tilespmem:s18], [sflag:$0x6], $0xF50, $0x38;
	[tilespmem:$0x1EE80] =	vst v63  }
0x167: {  	_ =	swait.ge [sflag:s25], $0xF50  }
0x168: {  	[sflag:s25] =	ssyncset.done $0x0  }
0x169: {  	s9 =	simm.s32 $0x0;
	[sflag:s25] =	ssyncadd.s32 $0xFFFFF0B0  }
0x16a: {  	v1 =	vld [tilespmem:s9+$0x150E0];
	_ =	sdelay $0x4  }
0x16b: {  	(v2sf) =	vpush v1, $0x0  }
0x16c: {  	(v2sf) =	vpush v1, $0xF;
	_ =	sdelay $0x5  }
0x16d: {  	v3 =	vld [tilespmem:s9+$0xD660]  }
0x16e: {  	v4 =	vld [tilespmem:s9+$0x1CB60];
	_ =	sdelay $0x4  }
0x16f: {  	v3 =	vadd.f32 v3, v4;
	_ =	sdelay $0x1  }
0x170: {  	v3 =	vmul.f32 $1.442695020e+00, v3;
	s6 =	spop (v2sf)  }
0x171: {  	s7 =	spop (v2sf)  }
0x172: {  	(erf) = vpow2.f32 v3;
	p0 =	sne.s32 s6, s22;
	p6 =	sne.s32 s6, s7  }
0x173: {  	p1 =	por p6, p0  }
0x174: {  	(xrf2) =	vadd.scan.msk.f32 @p1 $0xffff, v2;
	_ =	sdelay $0x6  }
0x175: {  	v3 =	vpop (erf)  }
0x176: {  	[tilespmem:s9+$0x1CB60] =	vst v3  }
0x177: {  	v4 =	vld @p1 [tilespmem:s22+$0x1EA00]  }
0x178: {  	v5, _, _ =	vpop @p1 (xrf2)  }
0x179: {  	v5 =	vbroadcast @p1 v5, $0xF  }
0x17a: {  	vm1 =	vmmov @p1 $0x1  }
0x17b: {  	p2 =	seq.s32 s6, s7;
	v2 =	vadd.f32 v3, v2;
	v5 =	vnsel @p1 vm1, $0x0, v5  }
0x17c: {  	s5 =	smov.u32 s22;
	v6 =	vpsel !p2, $0x0, v3;
	v4 =	vadd.f32 @p1 v4, v5  }
0x17d: {  	s6 =	simm.s32 $0x40;
	s5 =	smov.u32 @p1 s7;
	s7 =	simm.s32 @!p2 $0x1EA00;
	v2 =	vpsel p1, v6, v2  }
.LBB2_16:
0x17e: {  	[tilespmem:s22+$0x1EA00] =	vst @p1 v4;
	s8 =	smov.u32 s6;
	s6 =	sadd.s32 $0x40, s6;
	s22 =	smov.u32 s5  }
0x17f: {  	s8 =	sshra.s32 s8, $0x2;
	p0 =	sne.s32 s6, $0x3D40;
	[tilespmem:v1+s7+$0x0] =	vst.idx.add.f32.msk @!p2 $0xffff, v3  }
0x180: {  	v1 =	vld [tilespmem:s8+$0x150E0];
	_ =	sdelay $0x4  }
0x181: {  	(v2sf) =	vpush v1, $0x0  }
0x182: {  	(v2sf) =	vpush v1, $0xF;
	_ =	sdelay $0x4  }
0x183: {  	v3 =	vld [tilespmem:s8+$0xD660]  }
0x184: {  	v4 =	vld [tilespmem:s8+$0x1CB60];
	_ =	sdelay $0x4  }
0x185: {  	v3 =	vadd.f32 v3, v4;
	_ =	sdelay $0x1  }
0x186: {  	v3 =	vmul.f32 $1.442695020e+00, v3  }
0x187: {  	s7 =	spop (v2sf)  }
0x188: {  	p1 =	sne.s32 s7, s5;
	(erf) = vpow2.f32 v3;
	s9 =	spop (v2sf)  }
0x189: {  	p2 =	sne.s32 s7, s9  }
0x18a: {  	p1 =	por p2, p1  }
0x18b: {  	s5 =	smov.u32 @p1 s9;
	(xrf2) =	vadd.scan.msk.f32 @p1 $0xffff, v2;
	_ =	sdelay $0x5  }
0x18c: {  	v3 =	vpop (erf)  }
0x18d: {  	p2 =	seq.s32 s7, s9;
	[tilespmem:s8+$0x1CB60] =	vst v3;
	v2 =	vadd.f32 v3, v2  }
0x18e: {  	v6 =	vpsel !p2, $0x0, v3;
	v4 =	vld @p1 [tilespmem:s22+$0x1EA00]  }
0x18f: {  	v2 =	vpsel p1, v6, v2  }
0x190: {  	v5, _, _ =	vpop @p1 (xrf2)  }
.Ltmp7:
0x191: {  	vm1 =	vmmov @p1 $0x1;
	v5 =	vbroadcast @p1 v5, $0xF;
	(pc) =	sbr.rel @p0 .LBB2_16-.Ltmp7, $4  }
0x192: {  	_ = 	snop  }
0x193: {  	v5 =	vnsel @p1 vm1, $0x0, v5  }
0x194: {  	v4 =	vadd.f32 @p1 v4, v5  }
0x195: {  	s7 =	simm.s32 @!p2 $0x1EA00  }
0x196: {  	_ =	sdelay $0x2  }
0x197: {  	[tilespmem:s22+$0x1EA00] =	vst @p1 v4  }
0x198: {  	s6 =	simm.s32 $0x0;
	[tilespmem:v1+s7+$0x0] =	vst.idx.add.f32.msk @!p2 $0xffff, v3  }
0x199: {  	[hbm4b:s13+s6] =	stream.linear.scatter [tilespmem:s30], [sflag:$0x6], $0xF50, $0x38;
	[tilespmem:$0x1EE80] =	vst v63  }
0x19a: {  	_ =	swait.ge [sflag:s29], $0xF50  }
0x19b: {  	[sflag:s29] =	ssyncset.done $0x0  }
0x19c: {  	s9 =	simm.s32 $0x0;
	[sflag:s29] =	ssyncadd.s32 $0xFFFFF0B0  }
0x19d: {  	v1 =	vld [tilespmem:s9+$0x16030];
	_ =	sdelay $0x4  }
0x19e: {  	(v2sf) =	vpush v1, $0x0  }
0x19f: {  	(v2sf) =	vpush v1, $0xF;
	_ =	sdelay $0x5  }
0x1a0: {  	v3 =	vld [tilespmem:s9+$0xE5B0]  }
0x1a1: {  	v4 =	vld [tilespmem:s9+$0x1DAB0];
	_ =	sdelay $0x4  }
0x1a2: {  	v3 =	vadd.f32 v3, v4;
	_ =	sdelay $0x1  }
0x1a3: {  	v3 =	vmul.f32 $1.442695020e+00, v3;
	s22 =	spop (v2sf)  }
0x1a4: {  	s8 =	spop (v2sf)  }
0x1a5: {  	(erf) = vpow2.f32 v3;
	p0 =	sne.s32 s22, s5;
	p6 =	sne.s32 s22, s8  }
0x1a6: {  	p1 =	por p6, p0  }
0x1a7: {  	(xrf2) =	vadd.scan.msk.f32 @p1 $0xffff, v2;
	_ =	sdelay $0x6  }
0x1a8: {  	v3 =	vpop (erf)  }
0x1a9: {  	[tilespmem:s9+$0x1DAB0] =	vst v3  }
0x1aa: {  	v4 =	vld @p1 [tilespmem:s5+$0x1EA00]  }
0x1ab: {  	v5, _, _ =	vpop @p1 (xrf2)  }
0x1ac: {  	v5 =	vbroadcast @p1 v5, $0xF  }
0x1ad: {  	vm1 =	vmmov @p1 $0x1  }
0x1ae: {  	p2 =	seq.s32 s22, s8;
	v2 =	vadd.f32 v3, v2;
	v5 =	vnsel @p1 vm1, $0x0, v5  }
0x1af: {  	s22 =	smov.u32 s5;
	v6 =	vpsel !p2, $0x0, v3;
	v4 =	vadd.f32 @p1 v4, v5  }
0x1b0: {  	s6 =	simm.s32 $0x40;
	s7 =	simm.s32 @!p2 $0x1EA00;
	s22 =	smov.u32 @p1 s8;
	v2 =	vpsel p1, v6, v2  }
.LBB2_18:
0x1b1: {  	[tilespmem:s5+$0x1EA00] =	vst @p1 v4;
	s8 =	smov.u32 s6;
	s6 =	sadd.s32 $0x40, s6;
	s5 =	smov.u32 s22  }
0x1b2: {  	s8 =	sshra.s32 s8, $0x2;
	p0 =	sne.s32 s6, $0x3D40;
	[tilespmem:v1+s7+$0x0] =	vst.idx.add.f32.msk @!p2 $0xffff, v3  }
0x1b3: {  	v1 =	vld [tilespmem:s8+$0x16030];
	_ =	sdelay $0x4  }
0x1b4: {  	(v2sf) =	vpush v1, $0x0  }
0x1b5: {  	(v2sf) =	vpush v1, $0xF;
	_ =	sdelay $0x4  }
0x1b6: {  	v3 =	vld [tilespmem:s8+$0xE5B0]  }
0x1b7: {  	v4 =	vld [tilespmem:s8+$0x1DAB0];
	_ =	sdelay $0x4  }
0x1b8: {  	v3 =	vadd.f32 v3, v4;
	_ =	sdelay $0x1  }
0x1b9: {  	v3 =	vmul.f32 $1.442695020e+00, v3  }
0x1ba: {  	s7 =	spop (v2sf)  }
0x1bb: {  	p1 =	sne.s32 s7, s22;
	(erf) = vpow2.f32 v3;
	s9 =	spop (v2sf)  }
0x1bc: {  	p2 =	sne.s32 s7, s9  }
0x1bd: {  	p1 =	por p2, p1  }
0x1be: {  	s22 =	smov.u32 @p1 s9;
	(xrf2) =	vadd.scan.msk.f32 @p1 $0xffff, v2;
	_ =	sdelay $0x5  }
0x1bf: {  	v3 =	vpop (erf)  }
0x1c0: {  	p2 =	seq.s32 s7, s9;
	[tilespmem:s8+$0x1DAB0] =	vst v3;
	v2 =	vadd.f32 v3, v2  }
0x1c1: {  	v6 =	vpsel !p2, $0x0, v3;
	v4 =	vld @p1 [tilespmem:s5+$0x1EA00]  }
0x1c2: {  	v2 =	vpsel p1, v6, v2  }
0x1c3: {  	v5, _, _ =	vpop @p1 (xrf2)  }
.Ltmp8:
0x1c4: {  	vm1 =	vmmov @p1 $0x1;
	v5 =	vbroadcast @p1 v5, $0xF;
	(pc) =	sbr.rel @p0 .LBB2_18-.Ltmp8, $4  }
0x1c5: {  	_ = 	snop  }
0x1c6: {  	v5 =	vnsel @p1 vm1, $0x0, v5  }
0x1c7: {  	v4 =	vadd.f32 @p1 v4, v5  }
0x1c8: {  	s7 =	simm.s32 @!p2 $0x1EA00  }
0x1c9: {  	(xrf2) =	vadd.scan.msk.f32 $0xffff, v2;
	_ =	sdelay $0x5  }
0x1ca: {  	[tilespmem:s5+$0x1EA00] =	vst @p1 v4  }
0x1cb: {  	[tilespmem:v1+s7+$0x0] =	vst.idx.add.f32.msk @!p2 $0xffff, v3  }
0x1cc: {  	[hbm4b:s14+s3] =	stream.linear.scatter [tilespmem:s17], [sflag:$0x6], $0xF50, $0x38;
	[tilespmem:$0x1EE80] =	vst v63  }
0x1cd: {  	v1 =	vld [tilespmem:s22+$0x1EA00]  }
0x1ce: {  	v2, _, _ =	vpop (xrf2)  }
0x1cf: {  	v2 =	vbroadcast v2, $0xF;
	_ =	sdelay $0x1  }
0x1d0: {  	v2 =	vnsel vm0, $0x0, v2  }
0x1d1: {  	v1 =	vadd.f32 v1, v2;
	_ =	sdelay $0x1  }
0x1d2: {  	s9 =	simm.s32 $0x80;
	s6 =	simm.s32 $0x400;
	[tilespmem:s22+$0x1EA00] =	vst v1;
	s22 =	simm.s32 $0x1EA00  }
0x1d3: {  	[hbm4b:s15+s9] =	stream.strided.scatter [tilespmem:s22], [sflag:$0x7], $0x480, s6, s9, $0x38;
	[tilespmem:$0x1EE80] =	vst v63  }
0x1d4: {  	_ =	swait.ge [sflag:s0], $0x480  }
0x1d5: {  	[sflag:s0] =	ssyncset.done $0x0  }
0x1d6: {  	[sflag:s0] =	ssyncadd.s32 $0xFFFFFB80  }
0x1d7: {  	_ =	swait.ge [sflag:s26], $0xF50  }
0x1d8: {  	[sflag:s26] =	ssyncset.done $0x0  }
0x1d9: {  	[sflag:s26] =	ssyncadd.s32 $0xFFFFF0B0  }
0x1da: {  	_ =	swait.ge [sflag:s26], $0xF50  }
0x1db: {  	[sflag:s26] =	ssyncset.done $0x0  }
0x1dc: {  	[sflag:s26] =	ssyncadd.s32 $0xFFFFF0B0  }
0x1dd: {  	_ =	swait.ge [sflag:s26], $0xF50  }
0x1de: {  	[sflag:s26] =	ssyncset.done $0x0  }
0x1df: {  	[sflag:s26] =	ssyncadd.s32 $0xFFFFF0B0  }
0x1e0: {  	_ =	swait.ge [sflag:s26], $0xF50  }
0x1e1: {  	[sflag:s26] =	ssyncset.done $0x0  }
0x1e2: {  	[sflag:s26] =	ssyncadd.s32 $0xFFFFF0B0  }
0x1e3: {  	_ =	swait.ge [sflag:s26], $0xF50  }
0x1e4: {  	[sflag:s26] =	ssyncset.done $0x0  }
0x1e5: {  	[sflag:s26] =	ssyncadd.s32 $0xFFFFF0B0  }
0x1e6: {  	_ =	swait.ge [sflag:s26], $0xF50  }
0x1e7: {  	[sflag:s26] =	ssyncset.done $0x0  }
0x1e8: {  	s21 =	sadd.s32 $0x1, s21;
	[sflag:s26] =	ssyncadd.s32 $0xFFFFF0B0  }
0x1e9: {  	p0 =	sne.s32 s21, s16;
	_ =	swait.ge [sflag:s26], $0xF50  }
.Ltmp9:
0x1ea: {  	[sflag:s26] =	ssyncset.done $0x0;
	(pc) =	sbr.rel @p0 .LBB2_1-.Ltmp9, $4  }
0x1eb: {  	[sflag:s26] =	ssyncadd.s32 $0xFFFFF0B0  }
0x1ec: {  	_ =	swait.ge [sflag:s26], $0xF50  }
0x1ed: {  	[sflag:s26] =	ssyncset.done $0x0  }
0x1ee: {  	[sflag:s26] =	ssyncadd.s32 $0xFFFFF0B0  }
0x1ef: {  	_ =	sfence.sel $0x180000  }
0x1f0: {  	[bflag:$0x0] =	sbarrier.arrive $0xFFFF  }
0x1f1: {  	_ =	strace $0x90000047  }
0x1f2: {  	s0 =	stileid.u32;
	[bflag:$0x2] =	sbarrier.arrive $0xFFFF  }
0x1f3: {  	p0 =	sne.s32 s0, $0x0;
	s0 =	rddreg [dreg:$0x2]  }
0x1f4: {  	s0 =	sadd.s32 @!p0 $0x100000, s0  }
0x1f5: {  	[sflag:s0] =	ssyncadd.tile.s32 @!p0 $0x1;
	_ =	shalt  }
.Lfunc_end2:
_tile_overlayer_lowered:
.L_overlay_start_2:
0x1f6: {  	(tag) =	ssettag $0x2  }
0x1f7: {  	s0 =	rddreg [dreg:$0x0];
	s2 =	stileid.u32  }
0x1f8: {  	s1 =	rddreg [dreg:$0x1];
	p0 =	sne.s32 s2, $0x0  }
0x1f9: {  	s3 =	rddreg [dreg:$0x2];
	[bflag:$0x3] =	sbarrier.arrive $0xFFFF;
	s2 =	simm.s32 @!p0 $0x1C07  }
0x1fa: {  	[timem:s3], [sflag:s2] =	dma.local @!p0 [hbm:s0], s1  }
0x1fb: {  	s0 =	simm.s32 @!p0 $0x7  }
0x1fc: {  	_ =	swait.ge @!p0 [sflag:s0], s1  }
0x1fd: {  	s1 =	ssub.s32 @!p0 $0x0, s1;
	[sflag:s0] =	ssyncset.done @!p0 $0x0  }
0x1fe: {  	[sflag:s0] =	ssyncadd.s32 @!p0 s1  }
0x1ff: {  	[bflag:$0x3] =	sbarrier.arrive $0xFFFF  }
0x200: {  	_ =	shalt  }

// kernel: kernel.7.cloned.1.call-start
scs
__scs_entry_jumppad:
0x0: {  	(pc) =	sbr.rel $0x88, $3  }
0x1: {  	(tag) =	ssettag $0x0;
	lr =	simm.s32 $0x1  }
0x2: {  	[smem:$0x3F9D] =	sst lr;
	_ =	strace $0xD0000000  }
0x3: {  	_ = 	snop  }
0x4: {  	_ = 	snop  }
0x5: {  	_ = 	snop  }
0x6: {  	_ = 	snop  }
0x7: {  	_ = 	snop  }
__scs_overlays_trampoline_lowered:
0x8: {  	[smem:$0x3FAC] =	sst s0  }
0x9: {  	[smem:$0x3FAD] =	sst s1  }
0xa: {  	[smem:$0x3FAE] =	sst s2  }
0xb: {  	[smem:$0x3FAF] =	sst s3  }
0xc: {  	[smem:$0x3FB0] =	sst s4  }
0xd: {  	[smem:$0x3FB1] =	sst s5  }
0xe: {  	[smem:$0x3FB2] =	sst s6  }
0xf: {  	[smem:$0x3FB3] =	sst s7  }
0x10: {  	[smem:$0x3FB4] =	sst s8  }
0x11: {  	[smem:$0x3FB5] =	sst s9;
	s0 =	simm.s32 @!p0 $0x0  }
0x12: {  	s1 =	sld [smem:$0x3F9B];
	s0 =	simm.s32 @p0 $0x1  }
0x13: {  	[smem:$0x3FB6] =	sst s0;
	s0 =	simm.s32 @!p1 $0x0  }
0x14: {  	s2 =	sld [smem:$0x3F9A];
	s0 =	simm.s32 @p1 $0x1  }
0x15: {  	[smem:$0x3FB7] =	sst s0;
	s0 =	simm.s32 @!p2 $0x0  }
0x16: {  	s3 =	sld [smem:$0x3FDB];
	s0 =	simm.s32 @p2 $0x1  }
0x17: {  	s4 =	simm.s32 $0x1BF5;
	[smem:$0x3FB9] =	sst s0  }
0x18: {  	s0 =	sld [smem:$0x3F9C];
	_ =	swait.ge [sflag:s4], $0x0  }
0x19: {  	s7 =	sld [smem:$0x3F9D]  }
0x1a: {  	s8 =	sadd.s32 $0xFFFFE003, lr  }
0x1b: {  	s9 =	sadd.s32 $0xFFFFFEF7, lr;
	s5 =	simm.s32 $0xFFFFFFFF;
	p2 =	slt.u32 s8, $0xFFFFF086  }
0x1c: {  	p1 =	slt.u32 s9, $0xF7A;
	s5 =	simm.s32 @!p2 $0x0  }
0x1d: {  	s5 =	simm.s32 @p1 $0x1;
	p0 =	seq.s32 s7, s2  }
0x1e: {  	s7 =	smul.u32 @!p0 $0xF7A, s2;
	p2 =	seq.s32 @!p0 s5, $0x0  }
0x1f: {  	s9 =	smul.u32 $0xF7A, s1;
	s8 =	simm.s32 @!p0 $0x1BF5;
	p2 =	por !p2, p0  }
0x20: {  	[sflag:s8] =	ssyncset.s32 @!p0 $0xFFFFF086;
	s6 =	sadd.s32 @!p0 s3, s7;
	s7 =	simm.s32 @!p0 $0x108  }
0x21: {  	s3 =	sadd.s32 s3, s9;
	s6 =	sadd.s32 @!p0 $0x88, s6;
	s7 =	simm.s32 @p2 $0x1082  }
0x22: {  	[simem:s7], [sflag:s8] =	dma.local @!p0 [hbm:s6], $0xF7A  }
0x23: {  	s9 =	sor.u32 $0xD0000000, s2;
	s6 =	simm.s32 $0x108;
	_ =	swait.ge @!p0 [sflag:s8], $0x0  }
0x24: {  	s3 =	sadd.s32 $0x88, s3;
	s6 =	simm.s32 @!p1 $0x1082;
	[sflag:s4] =	ssyncset.s32 $0xFFFFF086  }
0x25: {  	[simem:s6], [sflag:s4] =	dma.local [hbm:s3], $0xF7A  }
0x26: {  	[smem:$0x3F9D] =	sst s1;
	(tag) =	ssettag s2;
	_ =	strace s9  }
0x27: {  	s1 =	sld [smem:$0x3FAD]  }
0x28: {  	s2 =	sld [smem:$0x3FAE]  }
0x29: {  	s4 =	sld [smem:$0x3FB0]  }
0x2a: {  	p0 =	seq.s32 s5, $0x0;
	s5 =	sld [smem:$0x3FB1]  }
0x2b: {  	s6 =	sld [smem:$0x3FB2]  }
0x2c: {  	s7 =	sld [smem:$0x3FB3]  }
0x2d: {  	s3 =	simm.s32 $0x108;
	s8 =	sld [smem:$0x3FB4]  }
0x2e: {  	s3 =	simm.s32 @!p0 $0x1082;
	s9 =	sld [smem:$0x3FB5]  }
0x2f: {  	lr =	sadd.s32 s0, s3;
	s0 =	sld [smem:$0x3FAC]  }
0x30: {  	s3 =	sld [smem:$0x3FAF]  }
0x31: {  	[smem:$0x3FB8] =	sst s10  }
0x32: {  	s10 =	sld [smem:$0x3FB6];
	_ =	sdelay $0x3  }
0x33: {  	p0 =	seq.s32 s10, $0x1;
	s10 =	sld [smem:$0x3FB8];
	_ =	sdelay $0x3  }
0x34: {  	[smem:$0x3FB8] =	sst s10  }
0x35: {  	s10 =	sld [smem:$0x3FB7];
	_ =	sdelay $0x3  }
0x36: {  	p1 =	seq.s32 s10, $0x1;
	s10 =	sld [smem:$0x3FB8];
	_ =	sdelay $0x3  }
0x37: {  	[smem:$0x3FB8] =	sst s10  }
0x38: {  	s10 =	sld [smem:$0x3FB9]  }
0x39: {  	_ = 	snop;
	(pc) =	sbr.ind lr, $3  }
0x3a: {  	_ = 	snop  }
0x3b: {  	_ = 	snop  }
0x3c: {  	p2 =	seq.s32 s10, $0x1;
	s10 =	sld [smem:$0x3FB8]  }
0x3d: {  	_ =	shalt  }
0x3e: {  	_ =	shalt  }
0x3f: {  	_ =	shalt  }
0x40: {  	_ =	shalt  }
0x41: {  	_ =	shalt  }
0x42: {  	_ =	shalt  }
0x43: {  	_ =	shalt  }
0x44: {  	_ =	shalt  }
0x45: {  	_ =	shalt  }
0x46: {  	_ =	shalt  }
0x47: {  	_ =	shalt  }
0x48: {  	_ =	shalt  }
0x49: {  	_ =	shalt  }
0x4a: {  	_ =	shalt  }
0x4b: {  	_ =	shalt  }
0x4c: {  	_ =	shalt  }
0x4d: {  	_ =	shalt  }
0x4e: {  	_ =	shalt  }
0x4f: {  	_ =	shalt  }
0x50: {  	_ =	shalt  }
0x51: {  	_ =	shalt  }
0x52: {  	_ =	shalt  }
0x53: {  	_ =	shalt  }
0x54: {  	_ =	shalt  }
0x55: {  	_ =	shalt  }
0x56: {  	_ =	shalt  }
0x57: {  	_ =	shalt  }
0x58: {  	_ =	shalt  }
0x59: {  	_ =	shalt  }
0x5a: {  	_ =	shalt  }
0x5b: {  	_ =	shalt  }
0x5c: {  	_ =	shalt  }
0x5d: {  	_ =	shalt  }
0x5e: {  	_ =	shalt  }
0x5f: {  	_ =	shalt  }
0x60: {  	_ =	shalt  }
0x61: {  	_ =	shalt  }
0x62: {  	_ =	shalt  }
0x63: {  	_ =	shalt  }
0x64: {  	_ =	shalt  }
0x65: {  	_ =	shalt  }
0x66: {  	_ =	shalt  }
0x67: {  	_ =	shalt  }
0x68: {  	_ =	shalt  }
0x69: {  	_ =	shalt  }
0x6a: {  	_ =	shalt  }
0x6b: {  	_ =	shalt  }
0x6c: {  	_ =	shalt  }
0x6d: {  	_ =	shalt  }
0x6e: {  	_ =	shalt  }
0x6f: {  	_ =	shalt  }
0x70: {  	_ =	shalt  }
0x71: {  	_ =	shalt  }
0x72: {  	_ =	shalt  }
0x73: {  	_ =	shalt  }
0x74: {  	_ =	shalt  }
0x75: {  	_ =	shalt  }
0x76: {  	_ =	shalt  }
0x77: {  	_ =	shalt  }
0x78: {  	_ =	shalt  }
0x79: {  	_ =	shalt  }
0x7a: {  	_ =	shalt  }
0x7b: {  	_ =	shalt  }
0x7c: {  	_ =	shalt  }
0x7d: {  	_ =	shalt  }
0x7e: {  	_ =	shalt  }
0x7f: {  	_ =	shalt  }
0x80: {  	_ =	shalt  }
0x81: {  	_ =	shalt  }
0x82: {  	_ =	shalt  }
0x83: {  	_ =	shalt  }
0x84: {  	_ =	shalt  }
0x85: {  	_ =	shalt  }
0x86: {  	_ =	shalt  }
0x87: {  	_ =	shalt  }
.Lfunc_end0:
.L_simem_size_0:
called_computation.1_lowered:
.L_overlay_start_0:
0x88: {  	s2 =	sld [smem:$0x3FD9]  }
0x89: {  	s3 =	sld [smem:$0x3FFE];
	_ =	sdelay $0x1  }
0x8a: {  	s1 =	srdreg.scid  }
0x8b: {  	s0 =	sand.u32 $0x1, s1  }
0x8c: {  	s17 =	sshll.u32 s0, $0xA;
	s2 =	sadd.s32 s3, s2  }
0x8d: {  	s2 =	sadd.s32 s2, s17  }
0x8e: {  	[smem:$0x3FC4] =	sst s2  }
0x8f: {  	_ = 	snop  }
0x90: {  	s2 =	sld [smem:$0x3FD0];
	(tm) =	ssettm $0x1  }
0x91: {  	s18 =	sld [smem:$0x3FFB];
	_ =	sdelay $0x3  }
0x92: {  	_ =	strace s18  }
0x93: {  	s3 =	sld [smem:$0x3FFC];
	_ =	sdelay $0x3  }
0x94: {  	_ =	strace s3  }
0x95: {  	s3 =	sld [smem:$0x3FFD];
	_ =	sdelay $0x3  }
0x96: {  	_ =	strace s3  }
0x97: {  	_ =	strace $0x8FFFFFFF  }
0x98: {  	s19 =	sld [smem:$0x3FDB];
	_ =	sdelay $0x1  }
0x99: {  	s4 =	simm.s32 $_scs_section_size  }
0x9a: {  	s5 =	simm.s32 $_size__tile_overlayer_lowered;
	s6 =	simm.s32 $_tile_overlayer_lowered  }
0x9b: {  	s22 =	simm.s32 $0x1BFF;
	s21 =	sshll.u32 s6, $0x1;
	s3 =	sadd.s32 s4, s19  }
0x9c: {  	s7 =	simm.s32 $0x0;
	s20 =	sshll.u32 s5, $0x1;
	s5 =	sadd.s32 s21, s3  }
0x9d: {  	[timem:s7], [sflag:s22] =	dma.local [hbm:s5], s20  }
0x9e: {  	_ =	swait.ge [sflag:s22], s20  }
0x9f: {  	s4 =	ssub.s32 $0x0, s20;
	[sflag:s22] =	ssyncset.done $0x0  }
0xa0: {  	[sflag:s22] =	ssyncadd.s32 s4;
	_ =	sdelay $0x1  }
0xa1: {  	s23 =	simm.s32 $0x1B8B  }
0xa2: {  	_ =	swait.ge [sflag:s23], $0x1  }
0xa3: {  	[sflag:s23] =	ssyncset.done $0x0  }
0xa4: {  	s25 =	simm.s32 $0x1B8E;
	s24 =	sld [smem:$0x3FFE];
	[sflag:s23] =	ssyncadd.s32 $0xFFFFFFFF  }
0xa5: {  	s26 =	simm.s32 $execute0_lowered;
	[smem:$0x3FD2] =	sst s25  }
0xa6: {  	s5 =	sshll.u32 s26, $0x1;
	_ =	strace $0x80000049;
	[dreg:$0x1] =	wrdreg $0xFFFFFFFF  }
0xa7: {  	s28 =	simm.s32 $_size_execute0_lowered;
	s3 =	sadd.s32 s3, s5;
	[dreg:$0x0] =	wrdreg $0x0  }
0xa8: {  	s5 =	sshll.u32 s28, $0x1;
	[dreg:$0x2] =	wrdreg s3  }
0xa9: {  	[dreg:$0x3] =	wrdreg s5  }
0xaa: {  	[dreg:$0x4] =	wrdreg $0xC0  }
0xab: {  	_ =	task [dreg:s7], $0x5FFFF  }
0xac: {  	[dreg:$0x1] =	wrdreg $0xFFFFFFFF  }
0xad: {  	[dreg:$0x0] =	wrdreg $0x60  }
0xae: {  	[dreg:$0x2] =	wrdreg s24  }
0xaf: {  	[dreg:$0x3] =	wrdreg s2  }
0xb0: {  	[dreg:$0x4] =	wrdreg $0x9  }
0xb1: {  	_ =	task.clear_ibuf [dreg:s7], $0x5FFFF;
	_ =	strace $0x90000049  }
0xb2: {  	s29 =	simm.s32 $0x9;
	_ =	strace $0x8000004B  }
0xb3: {  	_ =	swait.ge [sflag:s29], $0x1  }
0xb4: {  	[sflag:s29] =	ssyncadd.s32 $0xFFFFFFFF  }
0xb5: {  	_ =	strace $0x9000004B  }
0xb6: {  	_ =	sfence  }
0xb7: {  	s30 =	sld [smem:$0x0];
	_ =	sdelay $0x2  }
0xb8: {  	s31 =	sshll.u32 s1, $0xD;
	s1 =	sshrl.u32 s1, $0x2  }
0xb9: {  	s3 =	sand.u32 $0x4000, s31;
	s1 =	sadd.s32 s1, s30  }
0xba: {  	s0 =	sor.u32 s3, s0;
	s1 =	sshll.u32 s1, $0x11  }
0xbb: {  	s0 =	sor.u32 s1, s0  }
0xbc: {  	s0 =	sadd.s32 $0x8F2B, s0  }
0xbd: {  	[sflag:s0] =	ssyncadd.remote.s32 $0x1  }
0xbe: {  	_ =	sfence.sel $0xFFFF  }
0xbf: {  	[dreg:$0x0] =	wrdreg $0xFFFFFFFF;
	(pc) =	sbr.abs _section_cstart, $3  }
0xc0: {  	[dreg:$0x1] =	wrdreg $0xFFFFFFFF  }
0xc1: {  	_ =	task.clear_ibuf [dreg:s7], $0x2FFFF;
	_ =	strace $0x9FFFFFFF  }
0xc2: {  	(tm) =	ssettm $0x7FFFFFFF  }
0xc3: {  	_ =	shalt  }
tec
execute0_lowered:
.L_overlay_start_1:
0x0: {  	(tag) =	ssettag $0x1  }
0x1: {  	s2 =	rddreg [dreg:$0x0]  }
0x2: {  	s1 =	srdreg.scid;
	s0 =	stileid.u32  }
0x3: {  	s7 =	rddreg [dreg:$0x1];
	s3 =	simm.s32 $0x0;
	s11 =	simm.s32 $0x1880  }
0x4: {  	s12 =	simm.s32 $0xAD00;
	s13 =	simm.s32 $0xC580;
	s14 =	simm.s32 $0x2  }
0x5: {  	s15 =	simm.s32 $0x3;
	s16 =	simm.s32 $0x4;
	s17 =	simm.s32 $0x9000  }
0x6: {  	s18 =	simm.s32 $0xDE00;
	s19 =	simm.s32 $0x5;
	s20 =	simm.s32 $0x0  }
0x7: {  	s4 =	sand.u32 $0x1, s1;
	s5 =	sshll.u32 s0, $0x1;
	s1 =	rddreg [dreg:$0x2]  }
0x8: {  	[smem:$0x7FF] =	sst s3;
	s5 =	sor.u32 s4, s5;
	s6 =	ssub.s32 $0x2, s4  }
0x9: {  	_ =	strace $0x8000004A;
	s8 =	smul.u32 $0x310, s5;
	s9 =	sshrl.u32 s6, $0x1  }
0xa: {  	s4 =	sadd.s32 $0x5BE00, s2;
	s5 =	sadd.s32 $0x7A800, s2;
	s9 =	ssub.s32 s6, s9  }
0xb: {  	s10 =	sadd.s32 s8, s2;
	s7 =	sadd.s32 s7, s8;
	s8 =	smax.u32 s9, $0x1  }
0xc: {  	s9 =	simm.s32 $0x9480;
	s6 =	sadd.s32 $0x7BA00, s10;
	s10 =	simm.s32 $0x1  }
.LBB2_1:
0xd: {  	[tilespmem:s9], [sflag:$0x1] =	stream.linear.gather [hbm4b:s6+s3], $0x1880, $0x38;
	[tilespmem:$0xF680] =	vst v63  }
0xe: {  	_ = 	snop  }
0xf: {  	[tilespmem:s3], [sflag:$0x2] =	stream.linear.gather [hbm4b:s5+s3], $0x9000, $0x38;
	[tilespmem:$0xF680] =	vst v63  }
0x10: {  	_ =	swait.ge [sflag:s10], $0x1880  }
0x11: {  	[sflag:s10] =	ssyncset.done $0x0  }
0x12: {  	[sflag:s10] =	ssyncadd.s32 $0xFFFFE780  }
0x13: {  	[tilespmem:s12], [sflag:$0x3] =	stream.indirect.gather [hbm4b:s4+s11], $0x1, s9, s11, $0xb8;
	[tilespmem:$0xF680] =	vst v63  }
0x14: {  	_ = 	snop  }
0x15: {  	[tilespmem:s13], [sflag:$0x4] =	stream.indirect.gather [hbm4b:s2+s11], $0x1, s9, s11, $0xb8;
	[tilespmem:$0xF680] =	vst v63  }
0x16: {  	_ =	swait.ge [sflag:s14], $0x9000  }
0x17: {  	[sflag:s14] =	ssyncset.done $0x0  }
0x18: {  	s21 =	simm.s32 $0x0;
	[sflag:s14] =	ssyncadd.s32 $0xFFFF7000  }
.LBB2_2:
0x19: {  	s22 =	sshll.u32 s21, $0x4  }
0x1a: {  	s23 =	simm.s32 $0x0;
	s24 =	sand.u32 $0x70, s22  }
0x1b: {  	s26 =	smul.u32 $0x9000, s23;
	v0 =	vmov s24  }
0x1c: {  	s25 =	sshll.u32 s21, $0x7;
	s28 =	simm.s32 $0x0  }
0x1d: {  	s31 =	simm.s32 $0x80;
	s23 =	sand.u32 $0x3C00, s25;
	s30 =	sshra.s32 s26, $0x2  }
0x1e: {  	s25 =	sand.u32 $0x380, s31;
	s29 =	sor.u32 s24, s23;
	s26 =	sadd.s32 s30, s23  }
0x1f: {  	s28 =	smul.u32 $0x9000, s28;
	v1 =	vld [tilespmem:s29+$0x0];
	s25 =	sadd.s32 s25, s26  }
0x20: {  	v2 =	vld.idx.msk [tilespmem:v0+s25+$0x0 ss:$0x1], $0xffff  }
0x21: {  	s24 =	simm.s32 $0x100;
	s28 =	sshra.s32 s28, $0x2  }
0x22: {  	s31 =	sand.u32 $0x380, s24;
	s28 =	sadd.s32 s28, s23  }
0x23: {  	s26 =	sadd.s32 s31, s28;
	s25 =	simm.s32 $0x3  }
.LBB2_3:
0x24: {  	s28 =	sshrl.u32 s25, $0x3  }
0x25: {  	p0 =	sne.s32 s25, $0x1F;
	s25 =	sadd.s32 $0x1, s25;
	v1 =	vadd.f32 v2, v1;
	v2 =	vld.idx.msk [tilespmem:v0+s26+$0x0 ss:$0x1], $0xffff;
	s26 =	smul.u32 $0x9000, s28  }
.Ltmp0:
0x26: {  	(pc) =	sbr.rel @p0 .LBB2_3-.Ltmp0, $4  }
0x27: {  	_ = 	snop  }
0x28: {  	s24 =	sadd.s32 $0x80, s24;
	s26 =	sshra.s32 s26, $0x2  }
0x29: {  	s28 =	sand.u32 $0x380, s24;
	s26 =	sadd.s32 s26, s23  }
0x2a: {  	s26 =	sadd.s32 s28, s26  }
0x2b: {  	_ =	sdelay $0x3  }
0x2c: {  	v0 =	vld.idx.msk [tilespmem:v0+s26+$0x0 ss:$0x1], $0xffff  }
0x2d: {  	s21 =	sadd.s32 $0x1, s21  }
0x2e: {  	p0 =	sne.s32 s21, $0x41  }
.Ltmp1:
0x2f: {  	v1 =	vadd.f32 v2, v1;
	(pc) =	sbr.rel @p0 .LBB2_2-.Ltmp1, $3  }
0x30: {  	_ = 	snop  }
0x31: {  	v0 =	vadd.f32 v0, v1;
	_ =	sdelay $0x1  }
0x32: {  	[tilespmem:s22+$0x9000] =	vst v0  }
0x33: {  	_ =	swait.ge [sflag:s15], $0x1880  }
0x34: {  	[sflag:s15] =	ssyncset.done $0x0  }
0x35: {  	[sflag:s15] =	ssyncadd.s32 $0xFFFFE780  }
0x36: {  	_ =	swait.ge [sflag:s16], $0x1880  }
0x37: {  	[sflag:s16] =	ssyncset.done $0x0  }
0x38: {  	s21 =	simm.s32 $0x0;
	[sflag:s16] =	ssyncadd.s32 $0xFFFFE780  }
0x39: {  	v0 =	vld [tilespmem:s21+$0xC580];
	_ =	sdelay $0x7  }
0x3a: {  	v0 =	vld.idx.msk [tilespmem:v0+s17+$0x0], $0xffff;
	_ =	sdelay $0x4  }
0x3b: {  	(erf) = vrcp.f32 v0;
	_ =	sdelay $0x4  }
0x3c: {  	v0 =	vld [tilespmem:s21+$0xAD00];
	_ =	sdelay $0x2  }
0x3d: {  	s23 =	simm.s32 $0x10;
	s22 =	simm.s32 $0x80  }
.LBB2_6:
0x3e: {  	p0 =	sne.s32 s22, $0x61C0;
	v1 =	vld [tilespmem:s23+$0xC580];
	v2 =	vpop (erf)  }
0x3f: {  	v0 =	vmul.f32 v2, v0;
	_ =	sdelay $0x1  }
0x40: {  	v2 =	vsub.f32 $1.000000000e+00, v0;
	_ =	sdelay $0x1  }
0x41: {  	v0 =	vadd.f32 v2, v0;
	_ =	sdelay $0x1  }
0x42: {  	[tilespmem:s21+$0xDE00] =	vst v0;
	s21 =	smov.u32 s23  }
0x43: {  	v0 =	vld.idx.msk [tilespmem:v1+s17+$0x0], $0xffff;
	_ =	sdelay $0x5  }
0x44: {  	(erf) = vrcp.f32 v0;
	_ =	sdelay $0x3  }
.Ltmp2:
0x45: {  	(pc) =	sbr.rel @p0 .LBB2_6-.Ltmp2, $2  }
0x46: {  	v0 =	vld [tilespmem:s21+$0xAD00];
	_ =	sdelay $0x2  }
0x47: {  	s23 =	sshra.s32 s22, $0x2;
	s22 =	sadd.s32 $0x40, s22  }
0x48: {  	v1 =	vld [tilespmem:s23+$0xC580];
	v2 =	vpop (erf)  }
0x49: {  	v0 =	vmul.f32 v2, v0;
	_ =	sdelay $0x1  }
0x4a: {  	v2 =	vsub.f32 $1.000000000e+00, v0;
	_ =	sdelay $0x1  }
0x4b: {  	v0 =	vadd.f32 v2, v0;
	_ =	sdelay $0x1  }
0x4c: {  	[tilespmem:s21+$0xDE00] =	vst v0  }
0x4d: {  	v0 =	vld.idx.msk [tilespmem:v1+s17+$0x0], $0xffff;
	_ =	sdelay $0x4  }
0x4e: {  	(erf) = vrcp.f32 v0;
	_ =	sdelay $0x4  }
0x4f: {  	v62 =	vld [tilespmem:s23+$0xAD00];
	_ =	sdelay $0x3  }
0x50: {  	v63 =	vpop (erf)  }
0x51: {  	v0 =	vmul.f32 v63, v62;
	_ =	sdelay $0x1  }
0x52: {  	v1 =	vsub.f32 $1.000000000e+00, v0;
	_ =	sdelay $0x1  }
0x53: {  	s20 =	sadd.s32 $0x1, s20;
	v0 =	vadd.f32 v1, v0  }
0x54: {  	p0 =	sne.s32 s20, s8  }
.Ltmp3:
0x55: {  	[tilespmem:s23+$0xDE00] =	vst v0;
	(pc) =	sbr.rel @p0 .LBB2_1-.Ltmp3, $4  }
0x56: {  	[hbm4b:s7+s3] =	stream.linear.scatter [tilespmem:s18], [sflag:$0x5], $0x1880, $0x38;
	[tilespmem:$0xF680] =	vst v63  }
0x57: {  	_ =	swait.ge [sflag:s19], $0x1880  }
0x58: {  	[sflag:s19] =	ssyncset.done $0x0  }
0x59: {  	[sflag:s19] =	ssyncadd.s32 $0xFFFFE780  }
0x5a: {  	_ =	sfence.sel $0x180000  }
0x5b: {  	[bflag:$0x0] =	sbarrier.arrive $0xFFFF  }
0x5c: {  	p0 =	sne.s32 s0, $0x0;
	_ =	strace $0x9000004A  }
0x5d: {  	s0 =	sadd.s32 @!p0 $0x100000, s1;
	[bflag:$0x2] =	sbarrier.arrive $0xFFFF  }
0x5e: {  	[sflag:s0] =	ssyncadd.tile.s32 @!p0 $0x1;
	_ =	shalt  }
.Lfunc_end2:
_tile_overlayer_lowered:
.L_overlay_start_2:
0x5f: {  	(tag) =	ssettag $0x2  }
0x60: {  	s0 =	rddreg [dreg:$0x0];
	s2 =	stileid.u32  }
0x61: {  	s1 =	rddreg [dreg:$0x1];
	p0 =	sne.s32 s2, $0x0  }
0x62: {  	s3 =	rddreg [dreg:$0x2];
	[bflag:$0x3] =	sbarrier.arrive $0xFFFF;
	s2 =	simm.s32 @!p0 $0x1C05  }
0x63: {  	[timem:s3], [sflag:s2] =	dma.local @!p0 [hbm:s0], s1  }
0x64: {  	s0 =	simm.s32 @!p0 $0x5  }
0x65: {  	_ =	swait.ge @!p0 [sflag:s0], s1  }
0x66: {  	s1 =	ssub.s32 @!p0 $0x0, s1;
	[sflag:s0] =	ssyncset.done @!p0 $0x0  }
0x67: {  	[sflag:s0] =	ssyncadd.s32 @!p0 s1  }
0x68: {  	[bflag:$0x3] =	sbarrier.arrive $0xFFFF  }
0x69: {  	_ =	shalt  }

</sc_bundles>
